<compile_context>
chip_gen: v7x
topology: tpu7x:2x2x1
jax: 0.10.2.dev20260603
libtpu: 0.0.44.dev20260713+nightly
codegen_flags: <defaults>
</compile_context>

<pallas_src>
import functools

import jax
import jax.numpy as jnp
from jax import lax
from jax.experimental import pallas as pl
from jax.experimental.pallas import tpu as pltpu
from jax.experimental.pallas import tpu_sc as plsc

_VOCAB = 100000
_D = 128
_B = 1024
_H = 200
_N = _B * _H

_NC = 2
_NS = 16
_NW = _NC * _NS
_PER_W = _N // _NW
_CHUNK = 128
_NCHUNK = _PER_W // _CHUNK
_NBUF = 5
_LEAD = 4


def _make_lookup():
    mesh = plsc.VectorSubcoreMesh(core_axis_name="c", subcore_axis_name="s")

    @functools.partial(
        pl.kernel,
        out_type=jax.ShapeDtypeStruct((_N, _D), jnp.float32),
        mesh=mesh,
        scratch_types=[
            pltpu.VMEM((_NCHUNK, _CHUNK), jnp.int32),
            pltpu.VMEM((_NBUF, _CHUNK, _D), jnp.float32),
            pltpu.SemaphoreType.DMA((_NBUF,)),
            pltpu.SemaphoreType.DMA((_NBUF,)),
        ],
    )
    def lookup(idx_hbm, table_hbm, out_hbm, idx_v, rows_v, gsem, ssem):
        wid = lax.axis_index("s") * _NC + lax.axis_index("c")
        base = wid * _PER_W
        pltpu.sync_copy(idx_hbm.at[wid], idx_v)

        def gather_start(chunk, slot):
            pltpu.async_copy(
                table_hbm.at[idx_v.at[chunk]], rows_v.at[slot], gsem.at[slot]
            )

        def gather_wait(chunk, slot):
            pltpu.make_async_copy(
                table_hbm.at[idx_v.at[chunk]], rows_v.at[slot], gsem.at[slot]
            ).wait()

        def scatter_start(chunk, slot):
            pltpu.async_copy(
                rows_v.at[slot],
                out_hbm.at[pl.ds(base + chunk * _CHUNK, _CHUNK)],
                ssem.at[slot],
            )

        def scatter_wait(chunk, slot):
            pltpu.make_async_copy(
                rows_v.at[slot],
                out_hbm.at[pl.ds(base + chunk * _CHUNK, _CHUNK)],
                ssem.at[slot],
            ).wait()

        for b in range(_LEAD):
            gather_start(b, b)

        def outer(g, carry):
            for b in range(_NBUF):
                j = g * _NBUF + b
                nxt = j + _LEAD
                slot_n = (b + _LEAD) % _NBUF

                @pl.when(nxt < _NCHUNK)
                def _():
                    @pl.when(nxt - _NBUF >= 0)
                    def _():
                        scatter_wait(nxt - _NBUF, slot_n)

                    gather_start(nxt, slot_n)

                gather_wait(j, b)
                scatter_start(j, b)
            return carry

        lax.fori_loop(0, _NCHUNK // _NBUF, outer, 0)

        for b in range(_NBUF):
            last = _NCHUNK - _NBUF + b
            scatter_wait(last, last % _NBUF)

    return lookup


_lookup = _make_lookup()


def kernel(batch, table):
    idx = batch.reshape(_NW, _NCHUNK, _CHUNK).astype(jnp.int32)
    out = _lookup(idx, table)
    return out.reshape(_B, _H, _D)

# --- scband reference (transcript-rebuilt; emitter-appended) ---
"""Pipeline reference for scband-lookup-encoder-17437567221989 (READ-ONLY COPY).

The authoritative reference and input builder live on the scoring server;
editing this copy changes nothing except your own understanding.
"""

import jax, jax.numpy as jnp
import numpy as np

VOCAB_SIZE = 100000
EMBEDDING_DIM = 128
BATCH = 1024
HIST_LEN = 200


def setup_inputs(seed: int = 0) -> dict:
    key = jax.random.key(seed)
    k_idx, k_tab = jax.random.split(key)
    batch = jax.random.randint(k_idx, (BATCH, HIST_LEN), 0, VOCAB_SIZE, dtype=jnp.int64 if jax.config.jax_enable_x64 else jnp.int32)
    table = jax.random.normal(k_tab, (VOCAB_SIZE, EMBEDDING_DIM), dtype=jnp.float32)
    return {"batch": batch, "table": table}


def reference(batch, table):
    # LookupEncoder.forward: embedding lookup (weights frozen in torch, irrelevant for fwd)
    return jnp.take(table, batch, axis=0)

if __name__ == "__main__":
    import jax
    _d = setup_inputs()
    print(jax.jit(kernel)(*tuple(_d.values())))

</pallas_src>

<mosaic_0001>
#map = affine_map<(d0, d1) -> (0, 0, 0)>
#map1 = affine_map<(d0, d1) -> (0, 0)>
module attributes {stable_mosaic.version = 14 : i64} {
  func.func @lookup(%arg0: i32, %arg1: i32, %arg2: memref<32x50x128xi32, #tpu.memory_space<hbm>>, %arg3: memref<100000x128xf32, #tpu.memory_space<hbm>>, %arg4: memref<204800x128xf32, #tpu.memory_space<hbm>>, %arg5: memref<50x128xi32, #tpu.memory_space<vmem>>, %arg6: memref<5x128x128xf32, #tpu.memory_space<vmem>>, %arg7: memref<5x!tpu.dma_semaphore, #tpu.memory_space<semaphore_mem>>, %arg8: memref<5x!tpu.dma_semaphore, #tpu.memory_space<semaphore_mem>>) attributes {dimension_semantics = [#tpu.dimension_semantics<core_parallel>, #tpu.dimension_semantics<subcore_parallel>], iteration_bounds = array<i64: 2, 16>, scalar_prefetch = 0 : i64, scratch_operands = 4 : i64, tpu.core_type = #tpu.core_type<sc_vector_subcore>, window_params = [{transform_indices = #map}, {transform_indices = #map1}, {transform_indices = #map1}]} {
    %mul3A = arith.constant 2 : i32
    %mul3A_0 = arith.muli %arg1, %mul3A : i32
    %add3A = arith.addi %mul3A_0, %arg0 : i32
    %mul3A_1 = arith.constant 6400 : i32
    %mul3A_2 = arith.muli %add3A, %mul3A_1 : i32
    "tpu.region"() ({
      %run_scoped3A = tpu.sem_alloc : memref<!tpu.dma_semaphore, #tpu.memory_space<semaphore_mem>>
      %dma_start3A_156 = arith.constant 0 : i32
      %dma_start3A_157 = arith.constant 0 : i32
      %dma_start3A_158 = tpu.memref_slice %arg2[%add3A, %dma_start3A_156, %dma_start3A_157] : memref<32x50x128xi32, #tpu.memory_space<hbm>> -> memref<1x50x128xi32, #tpu.memory_space<hbm>>
      %dma_start3A_159 = tpu.memref_squeeze %dma_start3A_158 : memref<1x50x128xi32, #tpu.memory_space<hbm>> -> memref<50x128xi32, #tpu.memory_space<hbm>>
      %dma_start3A_160 = arith.constant 0 : i32
      %dma_start3A_161 = arith.constant 0 : i32
      %dma_start3A_162 = tpu.memref_slice %arg2[%add3A, %dma_start3A_160, %dma_start3A_161] : memref<32x50x128xi32, #tpu.memory_space<hbm>> -> memref<1x50x128xi32, #tpu.memory_space<hbm>>
      %dma_start3A_163 = tpu.memref_squeeze %dma_start3A_162 : memref<1x50x128xi32, #tpu.memory_space<hbm>> -> memref<50x128xi32, #tpu.memory_space<hbm>>
      tpu.enqueue_dma source(%dma_start3A_163 : memref<50x128xi32, #tpu.memory_space<hbm>>) target(%arg5 : memref<50x128xi32, #tpu.memory_space<vmem>>) target_semaphore(%run_scoped3A : memref<!tpu.dma_semaphore, #tpu.memory_space<semaphore_mem>>)
      %dma_wait3A_164 = arith.constant 0 : i32
      %dma_wait3A_165 = arith.constant 0 : i32
      %dma_wait3A_166 = tpu.memref_slice %arg2[%add3A, %dma_wait3A_164, %dma_wait3A_165] : memref<32x50x128xi32, #tpu.memory_space<hbm>> -> memref<1x50x128xi32, #tpu.memory_space<hbm>>
      %dma_wait3A_167 = tpu.memref_squeeze %dma_wait3A_166 : memref<1x50x128xi32, #tpu.memory_space<hbm>> -> memref<50x128xi32, #tpu.memory_space<hbm>>
      %dma_wait3A_168 = arith.constant 0 : i32
      %dma_wait3A_169 = arith.constant 0 : i32
      %dma_wait3A_170 = tpu.memref_slice %arg2[%add3A, %dma_wait3A_168, %dma_wait3A_169] : memref<32x50x128xi32, #tpu.memory_space<hbm>> -> memref<1x50x128xi32, #tpu.memory_space<hbm>>
      %dma_wait3A_171 = tpu.memref_squeeze %dma_wait3A_170 : memref<1x50x128xi32, #tpu.memory_space<hbm>> -> memref<50x128xi32, #tpu.memory_space<hbm>>
      tpu.wait_dma2 semaphore(%run_scoped3A : memref<!tpu.dma_semaphore, #tpu.memory_space<semaphore_mem>>) src(%dma_wait3A_171 : memref<50x128xi32, #tpu.memory_space<hbm>>) dst(%arg5 : memref<50x128xi32, #tpu.memory_space<vmem>>)
      tpu.yield
    }) : () -> ()
    %dma_start3A = arith.constant 0 : i32
    %dma_start3A_3 = arith.constant 0 : i32
    %dma_start3A_4 = arith.constant 0 : i32
    %dma_start3A_5 = arith.constant 0 : i32
    %dma_start3A_6 = arith.constant 0 : i32
    %dma_start3A_7 = tpu.memref_slice %arg6[%dma_start3A_3, %dma_start3A_5, %dma_start3A_6] : memref<5x128x128xf32, #tpu.memory_space<vmem>> -> memref<1x128x128xf32, #tpu.memory_space<vmem>>
    %dma_start3A_8 = tpu.memref_squeeze %dma_start3A_7 : memref<1x128x128xf32, #tpu.memory_space<vmem>> -> memref<128x128xf32, #tpu.memory_space<vmem>>
    %dma_start3A_9 = arith.constant 0 : i32
    %dma_start3A_10 = tpu.memref_slice %arg5[%dma_start3A, %dma_start3A_9] : memref<50x128xi32, #tpu.memory_space<vmem>> -> memref<1x128xi32, #tpu.memory_space<vmem>>
    %dma_start3A_11 = tpu.memref_squeeze %dma_start3A_10 : memref<1x128xi32, #tpu.memory_space<vmem>> -> memref<128xi32, #tpu.memory_space<vmem>>
    %dma_start3A_12 = arith.constant 0 : i32
    %dma_start3A_13 = arith.constant 0 : i32
    %dma_start3A_14 = tpu.memref_slice %arg3[%dma_start3A_12, %dma_start3A_13] : memref<100000x128xf32, #tpu.memory_space<hbm>> -> memref<100000x128xf32, #tpu.memory_space<hbm>>
    %dma_start3A_15 = tpu.memref_slice %arg7[%dma_start3A_4] : memref<5x!tpu.dma_semaphore, #tpu.memory_space<semaphore_mem>> -> memref<1x!tpu.dma_semaphore, #tpu.memory_space<semaphore_mem>>
    %dma_start3A_16 = tpu.memref_squeeze %dma_start3A_15 : memref<1x!tpu.dma_semaphore, #tpu.memory_space<semaphore_mem>> -> memref<!tpu.dma_semaphore, #tpu.memory_space<semaphore_mem>>
    tpu.enqueue_indirect_dma source(%dma_start3A_14 : memref<100000x128xf32, #tpu.memory_space<hbm>>) target(%dma_start3A_8 : memref<128x128xf32, #tpu.memory_space<vmem>>) offsets(%dma_start3A_11 : memref<128xi32, #tpu.memory_space<vmem>>) semaphore(%dma_start3A_16 : memref<!tpu.dma_semaphore, #tpu.memory_space<semaphore_mem>>)
    %dma_start3A_17 = arith.constant 1 : i32
    %dma_start3A_18 = arith.constant 1 : i32
    %dma_start3A_19 = arith.constant 1 : i32
    %dma_start3A_20 = arith.constant 0 : i32
    %dma_start3A_21 = arith.constant 0 : i32
    %dma_start3A_22 = tpu.memref_slice %arg6[%dma_start3A_18, %dma_start3A_20, %dma_start3A_21] : memref<5x128x128xf32, #tpu.memory_space<vmem>> -> memref<1x128x128xf32, #tpu.memory_space<vmem>>
    %dma_start3A_23 = tpu.memref_squeeze %dma_start3A_22 : memref<1x128x128xf32, #tpu.memory_space<vmem>> -> memref<128x128xf32, #tpu.memory_space<vmem>>
    %dma_start3A_24 = arith.constant 0 : i32
    %dma_start3A_25 = tpu.memref_slice %arg5[%dma_start3A_17, %dma_start3A_24] : memref<50x128xi32, #tpu.memory_space<vmem>> -> memref<1x128xi32, #tpu.memory_space<vmem>>
    %dma_start3A_26 = tpu.memref_squeeze %dma_start3A_25 : memref<1x128xi32, #tpu.memory_space<vmem>> -> memref<128xi32, #tpu.memory_space<vmem>>
    %dma_start3A_27 = arith.constant 0 : i32
    %dma_start3A_28 = arith.constant 0 : i32
    %dma_start3A_29 = tpu.memref_slice %arg3[%dma_start3A_27, %dma_start3A_28] : memref<100000x128xf32, #tpu.memory_space<hbm>> -> memref<100000x128xf32, #tpu.memory_space<hbm>>
    %dma_start3A_30 = tpu.memref_slice %arg7[%dma_start3A_19] : memref<5x!tpu.dma_semaphore, #tpu.memory_space<semaphore_mem>> -> memref<1x!tpu.dma_semaphore, #tpu.memory_space<semaphore_mem>>
    %dma_start3A_31 = tpu.memref_squeeze %dma_start3A_30 : memref<1x!tpu.dma_semaphore, #tpu.memory_space<semaphore_mem>> -> memref<!tpu.dma_semaphore, #tpu.memory_space<semaphore_mem>>
    tpu.enqueue_indirect_dma source(%dma_start3A_29 : memref<100000x128xf32, #tpu.memory_space<hbm>>) target(%dma_start3A_23 : memref<128x128xf32, #tpu.memory_space<vmem>>) offsets(%dma_start3A_26 : memref<128xi32, #tpu.memory_space<vmem>>) semaphore(%dma_start3A_31 : memref<!tpu.dma_semaphore, #tpu.memory_space<semaphore_mem>>)
    %dma_start3A_32 = arith.constant 2 : i32
    %dma_start3A_33 = arith.constant 2 : i32
    %dma_start3A_34 = arith.constant 2 : i32
    %dma_start3A_35 = arith.constant 0 : i32
    %dma_start3A_36 = arith.constant 0 : i32
    %dma_start3A_37 = tpu.memref_slice %arg6[%dma_start3A_33, %dma_start3A_35, %dma_start3A_36] : memref<5x128x128xf32, #tpu.memory_space<vmem>> -> memref<1x128x128xf32, #tpu.memory_space<vmem>>
    %dma_start3A_38 = tpu.memref_squeeze %dma_start3A_37 : memref<1x128x128xf32, #tpu.memory_space<vmem>> -> memref<128x128xf32, #tpu.memory_space<vmem>>
    %dma_start3A_39 = arith.constant 0 : i32
    %dma_start3A_40 = tpu.memref_slice %arg5[%dma_start3A_32, %dma_start3A_39] : memref<50x128xi32, #tpu.memory_space<vmem>> -> memref<1x128xi32, #tpu.memory_space<vmem>>
    %dma_start3A_41 = tpu.memref_squeeze %dma_start3A_40 : memref<1x128xi32, #tpu.memory_space<vmem>> -> memref<128xi32, #tpu.memory_space<vmem>>
    %dma_start3A_42 = arith.constant 0 : i32
    %dma_start3A_43 = arith.constant 0 : i32
    %dma_start3A_44 = tpu.memref_slice %arg3[%dma_start3A_42, %dma_start3A_43] : memref<100000x128xf32, #tpu.memory_space<hbm>> -> memref<100000x128xf32, #tpu.memory_space<hbm>>
    %dma_start3A_45 = tpu.memref_slice %arg7[%dma_start3A_34] : memref<5x!tpu.dma_semaphore, #tpu.memory_space<semaphore_mem>> -> memref<1x!tpu.dma_semaphore, #tpu.memory_space<semaphore_mem>>
    %dma_start3A_46 = tpu.memref_squeeze %dma_start3A_45 : memref<1x!tpu.dma_semaphore, #tpu.memory_space<semaphore_mem>> -> memref<!tpu.dma_semaphore, #tpu.memory_space<semaphore_mem>>
    tpu.enqueue_indirect_dma source(%dma_start3A_44 : memref<100000x128xf32, #tpu.memory_space<hbm>>) target(%dma_start3A_38 : memref<128x128xf32, #tpu.memory_space<vmem>>) offsets(%dma_start3A_41 : memref<128xi32, #tpu.memory_space<vmem>>) semaphore(%dma_start3A_46 : memref<!tpu.dma_semaphore, #tpu.memory_space<semaphore_mem>>)
    %dma_start3A_47 = arith.constant 3 : i32
    %dma_start3A_48 = arith.constant 3 : i32
    %dma_start3A_49 = arith.constant 3 : i32
    %dma_start3A_50 = arith.constant 0 : i32
    %dma_start3A_51 = arith.constant 0 : i32
    %dma_start3A_52 = tpu.memref_slice %arg6[%dma_start3A_48, %dma_start3A_50, %dma_start3A_51] : memref<5x128x128xf32, #tpu.memory_space<vmem>> -> memref<1x128x128xf32, #tpu.memory_space<vmem>>
    %dma_start3A_53 = tpu.memref_squeeze %dma_start3A_52 : memref<1x128x128xf32, #tpu.memory_space<vmem>> -> memref<128x128xf32, #tpu.memory_space<vmem>>
    %dma_start3A_54 = arith.constant 0 : i32
    %dma_start3A_55 = tpu.memref_slice %arg5[%dma_start3A_47, %dma_start3A_54] : memref<50x128xi32, #tpu.memory_space<vmem>> -> memref<1x128xi32, #tpu.memory_space<vmem>>
    %dma_start3A_56 = tpu.memref_squeeze %dma_start3A_55 : memref<1x128xi32, #tpu.memory_space<vmem>> -> memref<128xi32, #tpu.memory_space<vmem>>
    %dma_start3A_57 = arith.constant 0 : i32
    %dma_start3A_58 = arith.constant 0 : i32
    %dma_start3A_59 = tpu.memref_slice %arg3[%dma_start3A_57, %dma_start3A_58] : memref<100000x128xf32, #tpu.memory_space<hbm>> -> memref<100000x128xf32, #tpu.memory_space<hbm>>
    %dma_start3A_60 = tpu.memref_slice %arg7[%dma_start3A_49] : memref<5x!tpu.dma_semaphore, #tpu.memory_space<semaphore_mem>> -> memref<1x!tpu.dma_semaphore, #tpu.memory_space<semaphore_mem>>
    %dma_start3A_61 = tpu.memref_squeeze %dma_start3A_60 : memref<1x!tpu.dma_semaphore, #tpu.memory_space<semaphore_mem>> -> memref<!tpu.dma_semaphore, #tpu.memory_space<semaphore_mem>>
    tpu.enqueue_indirect_dma source(%dma_start3A_59 : memref<100000x128xf32, #tpu.memory_space<hbm>>) target(%dma_start3A_53 : memref<128x128xf32, #tpu.memory_space<vmem>>) offsets(%dma_start3A_56 : memref<128xi32, #tpu.memory_space<vmem>>) semaphore(%dma_start3A_61 : memref<!tpu.dma_semaphore, #tpu.memory_space<semaphore_mem>>)
    %scan3A = arith.constant 0 : i32
    %scan3A_62 = arith.constant 0 : i32
    %scan3A_63 = arith.constant 10 : i32
    %scan3A_64 = arith.addi %scan3A_62, %scan3A_63 : i32
    %scan3A_65 = arith.constant 1 : i32
    scf.for %scan3A_156 = %scan3A_62 to %scan3A_64 step %scan3A_65  : i32 {
      %mul3A_157 = arith.constant 5 : i32
      %mul3A_158 = arith.muli %scan3A_156, %mul3A_157 : i32
      %add3A_159 = arith.constant 0 : i32
      %add3A_160 = arith.addi %mul3A_158, %add3A_159 : i32
      %add3A_161 = arith.constant 4 : i32
      %add3A_162 = arith.addi %add3A_160, %add3A_161 : i32
      %lt3A = arith.constant 50 : i32
      %lt3A_163 = arith.cmpi slt, %add3A_162, %lt3A : i32
      %convert_element_type3A = arith.extui %lt3A_163 : i1 to i32
      %cond3A = arith.constant 0 : i32
      %cond3A_164 = arith.cmpi ne, %convert_element_type3A, %cond3A : i32
      scf.if %cond3A_164 {
        %sub3A = arith.constant 5 : i32
        %sub3A_374 = arith.subi %add3A_162, %sub3A : i32
        %ge3A = arith.constant 0 : i32
        %ge3A_375 = arith.cmpi sge, %sub3A_374, %ge3A : i32
        %convert_element_type3A_376 = arith.extui %ge3A_375 : i1 to i32
        %cond3A_377 = arith.constant 0 : i32
        %cond3A_378 = arith.cmpi ne, %convert_element_type3A_376, %cond3A_377 : i32
        scf.if %cond3A_378 {
          %sub3A_393 = arith.constant 5 : i32
          %sub3A_394 = arith.subi %add3A_162, %sub3A_393 : i32
          %mul3A_395 = arith.constant 128 : i32
          %mul3A_396 = arith.muli %sub3A_394, %mul3A_395 : i32
          %add3A_397 = arith.addi %mul3A_2, %mul3A_396 : i32
          %dma_wait3A_398 = arith.constant 4 : i32
          %dma_wait3A_399 = arith.constant 4 : i32
          %dma_wait3A_400 = arith.constant 0 : i32
          %dma_wait3A_401 = arith.constant 0 : i32
          %dma_wait3A_402 = tpu.memref_slice %arg6[%dma_wait3A_398, %dma_wait3A_400, %dma_wait3A_401] : memref<5x128x128xf32, #tpu.memory_space<vmem>> -> memref<1x128x128xf32, #tpu.memory_space<vmem>>
          %dma_wait3A_403 = tpu.memref_squeeze %dma_wait3A_402 : memref<1x128x128xf32, #tpu.memory_space<vmem>> -> memref<128x128xf32, #tpu.memory_space<vmem>>
          %dma_wait3A_404 = arith.constant 0 : i32
          %dma_wait3A_405 = tpu.memref_slice %arg4[%add3A_397, %dma_wait3A_404] : memref<204800x128xf32, #tpu.memory_space<hbm>> -> memref<128x128xf32, #tpu.memory_space<hbm>>
          %dma_wait3A_406 = tpu.memref_slice %arg8[%dma_wait3A_399] : memref<5x!tpu.dma_semaphore, #tpu.memory_space<semaphore_mem>> -> memref<1x!tpu.dma_semaphore, #tpu.memory_space<semaphore_mem>>
          %dma_wait3A_407 = tpu.memref_squeeze %dma_wait3A_406 : memref<1x!tpu.dma_semaphore, #tpu.memory_space<semaphore_mem>> -> memref<!tpu.dma_semaphore, #tpu.memory_space<semaphore_mem>>
          %dma_wait3A_408 = arith.constant 0 : i32
          %dma_wait3A_409 = tpu.memref_slice %arg4[%add3A_397, %dma_wait3A_408] : memref<204800x128xf32, #tpu.memory_space<hbm>> -> memref<128x128xf32, #tpu.memory_space<hbm>>
          %dma_wait3A_410 = arith.constant 0 : i32
          %dma_wait3A_411 = arith.constant 0 : i32
          %dma_wait3A_412 = tpu.memref_slice %arg6[%dma_wait3A_398, %dma_wait3A_410, %dma_wait3A_411] : memref<5x128x128xf32, #tpu.memory_space<vmem>> -> memref<1x128x128xf32, #tpu.memory_space<vmem>>
          %dma_wait3A_413 = tpu.memref_squeeze %dma_wait3A_412 : memref<1x128x128xf32, #tpu.memory_space<vmem>> -> memref<128x128xf32, #tpu.memory_space<vmem>>
          tpu.wait_dma2 semaphore(%dma_wait3A_407 : memref<!tpu.dma_semaphore, #tpu.memory_space<semaphore_mem>>) src(%dma_wait3A_413 : memref<128x128xf32, #tpu.memory_space<vmem>>) dst(%dma_wait3A_409 : memref<128x128xf32, #tpu.memory_space<hbm>>)
        } else {
        }
        %dma_start3A_379 = arith.constant 4 : i32
        %dma_start3A_380 = arith.constant 4 : i32
        %dma_start3A_381 = arith.constant 0 : i32
        %dma_start3A_382 = arith.constant 0 : i32
        %dma_start3A_383 = tpu.memref_slice %arg6[%dma_start3A_379, %dma_start3A_381, %dma_start3A_382] : memref<5x128x128xf32, #tpu.memory_space<vmem>> -> memref<1x128x128xf32, #tpu.memory_space<vmem>>
        %dma_start3A_384 = tpu.memref_squeeze %dma_start3A_383 : memref<1x128x128xf32, #tpu.memory_space<vmem>> -> memref<128x128xf32, #tpu.memory_space<vmem>>
        %dma_start3A_385 = arith.constant 0 : i32
        %dma_start3A_386 = tpu.memref_slice %arg5[%add3A_162, %dma_start3A_385] : memref<50x128xi32, #tpu.memory_space<vmem>> -> memref<1x128xi32, #tpu.memory_space<vmem>>
        %dma_start3A_387 = tpu.memref_squeeze %dma_start3A_386 : memref<1x128xi32, #tpu.memory_space<vmem>> -> memref<128xi32, #tpu.memory_space<vmem>>
        %dma_start3A_388 = arith.constant 0 : i32
        %dma_start3A_389 = arith.constant 0 : i32
        %dma_start3A_390 = tpu.memref_slice %arg3[%dma_start3A_388, %dma_start3A_389] : memref<100000x128xf32, #tpu.memory_space<hbm>> -> memref<100000x128xf32, #tpu.memory_space<hbm>>
        %dma_start3A_391 = tpu.memref_slice %arg7[%dma_start3A_380] : memref<5x!tpu.dma_semaphore, #tpu.memory_space<semaphore_mem>> -> memref<1x!tpu.dma_semaphore, #tpu.memory_space<semaphore_mem>>
        %dma_start3A_392 = tpu.memref_squeeze %dma_start3A_391 : memref<1x!tpu.dma_semaphore, #tpu.memory_space<semaphore_mem>> -> memref<!tpu.dma_semaphore, #tpu.memory_space<semaphore_mem>>
        tpu.enqueue_indirect_dma source(%dma_start3A_390 : memref<100000x128xf32, #tpu.memory_space<hbm>>) target(%dma_start3A_384 : memref<128x128xf32, #tpu.memory_space<vmem>>) offsets(%dma_start3A_387 : memref<128xi32, #tpu.memory_space<vmem>>) semaphore(%dma_start3A_392 : memref<!tpu.dma_semaphore, #tpu.memory_space<semaphore_mem>>)
      } else {
      }
      %dma_wait3A_165 = arith.constant 0 : i32
      %dma_wait3A_166 = arith.constant 0 : i32
      %dma_wait3A_167 = arith.constant 0 : i32
      %dma_wait3A_168 = arith.constant 0 : i32
      %dma_wait3A_169 = tpu.memref_slice %arg6[%dma_wait3A_165, %dma_wait3A_167, %dma_wait3A_168] : memref<5x128x128xf32, #tpu.memory_space<vmem>> -> memref<1x128x128xf32, #tpu.memory_space<vmem>>
      %dma_wait3A_170 = tpu.memref_squeeze %dma_wait3A_169 : memref<1x128x128xf32, #tpu.memory_space<vmem>> -> memref<128x128xf32, #tpu.memory_space<vmem>>
      %dma_wait3A_171 = arith.constant 0 : i32
      %dma_wait3A_172 = tpu.memref_slice %arg5[%add3A_160, %dma_wait3A_171] : memref<50x128xi32, #tpu.memory_space<vmem>> -> memref<1x128xi32, #tpu.memory_space<vmem>>
      %dma_wait3A_173 = tpu.memref_squeeze %dma_wait3A_172 : memref<1x128xi32, #tpu.memory_space<vmem>> -> memref<128xi32, #tpu.memory_space<vmem>>
      %dma_wait3A_174 = arith.constant 0 : i32
      %dma_wait3A_175 = arith.constant 0 : i32
      %dma_wait3A_176 = tpu.memref_slice %arg3[%dma_wait3A_174, %dma_wait3A_175] : memref<100000x128xf32, #tpu.memory_space<hbm>> -> memref<100000x128xf32, #tpu.memory_space<hbm>>
      %dma_wait3A_177 = tpu.memref_slice %arg7[%dma_wait3A_166] : memref<5x!tpu.dma_semaphore, #tpu.memory_space<semaphore_mem>> -> memref<1x!tpu.dma_semaphore, #tpu.memory_space<semaphore_mem>>
      %dma_wait3A_178 = tpu.memref_squeeze %dma_wait3A_177 : memref<1x!tpu.dma_semaphore, #tpu.memory_space<semaphore_mem>> -> memref<!tpu.dma_semaphore, #tpu.memory_space<semaphore_mem>>
      tpu.wait_indirect_dma semaphore(%dma_wait3A_178 : memref<!tpu.dma_semaphore, #tpu.memory_space<semaphore_mem>>) src(%dma_wait3A_176 : memref<100000x128xf32, #tpu.memory_space<hbm>>) dst(%dma_wait3A_170 : memref<128x128xf32, #tpu.memory_space<vmem>>)
      %mul3A_179 = arith.constant 128 : i32
      %mul3A_180 = arith.muli %add3A_160, %mul3A_179 : i32
      %add3A_181 = arith.addi %mul3A_2, %mul3A_180 : i32
      %dma_start3A_182 = arith.constant 0 : i32
      %dma_start3A_183 = arith.constant 0 : i32
      %dma_start3A_184 = arith.constant 0 : i32
      %dma_start3A_185 = arith.constant 0 : i32
      %dma_start3A_186 = tpu.memref_slice %arg6[%dma_start3A_182, %dma_start3A_184, %dma_start3A_185] : memref<5x128x128xf32, #tpu.memory_space<vmem>> -> memref<1x128x128xf32, #tpu.memory_space<vmem>>
      %dma_start3A_187 = tpu.memref_squeeze %dma_start3A_186 : memref<1x128x128xf32, #tpu.memory_space<vmem>> -> memref<128x128xf32, #tpu.memory_space<vmem>>
      %dma_start3A_188 = arith.constant 0 : i32
      %dma_start3A_189 = tpu.memref_slice %arg4[%add3A_181, %dma_start3A_188] : memref<204800x128xf32, #tpu.memory_space<hbm>> -> memref<128x128xf32, #tpu.memory_space<hbm>>
      %dma_start3A_190 = tpu.memref_slice %arg8[%dma_start3A_183] : memref<5x!tpu.dma_semaphore, #tpu.memory_space<semaphore_mem>> -> memref<1x!tpu.dma_semaphore, #tpu.memory_space<semaphore_mem>>
      %dma_start3A_191 = tpu.memref_squeeze %dma_start3A_190 : memref<1x!tpu.dma_semaphore, #tpu.memory_space<semaphore_mem>> -> memref<!tpu.dma_semaphore, #tpu.memory_space<semaphore_mem>>
      %dma_start3A_192 = arith.constant 0 : i32
      %dma_start3A_193 = tpu.memref_slice %arg4[%add3A_181, %dma_start3A_192] : memref<204800x128xf32, #tpu.memory_space<hbm>> -> memref<128x128xf32, #tpu.memory_space<hbm>>
      %dma_start3A_194 = arith.constant 0 : i32
      %dma_start3A_195 = arith.constant 0 : i32
      %dma_start3A_196 = tpu.memref_slice %arg6[%dma_start3A_182, %dma_start3A_194, %dma_start3A_195] : memref<5x128x128xf32, #tpu.memory_space<vmem>> -> memref<1x128x128xf32, #tpu.memory_space<vmem>>
      %dma_start3A_197 = tpu.memref_squeeze %dma_start3A_196 : memref<1x128x128xf32, #tpu.memory_space<vmem>> -> memref<128x128xf32, #tpu.memory_space<vmem>>
      tpu.enqueue_dma source(%dma_start3A_197 : memref<128x128xf32, #tpu.memory_space<vmem>>) target(%dma_start3A_193 : memref<128x128xf32, #tpu.memory_space<hbm>>) target_semaphore(%dma_start3A_191 : memref<!tpu.dma_semaphore, #tpu.memory_space<semaphore_mem>>)
      %mul3A_198 = arith.constant 5 : i32
      %mul3A_199 = arith.muli %scan3A_156, %mul3A_198 : i32
      %add3A_200 = arith.constant 1 : i32
      %add3A_201 = arith.addi %mul3A_199, %add3A_200 : i32
      %add3A_202 = arith.constant 4 : i32
      %add3A_203 = arith.addi %add3A_201, %add3A_202 : i32
      %lt3A_204 = arith.constant 50 : i32
      %lt3A_205 = arith.cmpi slt, %add3A_203, %lt3A_204 : i32
      %convert_element_type3A_206 = arith.extui %lt3A_205 : i1 to i32
      %cond3A_207 = arith.constant 0 : i32
      %cond3A_208 = arith.cmpi ne, %convert_element_type3A_206, %cond3A_207 : i32
      scf.if %cond3A_208 {
        %sub3A = arith.constant 5 : i32
        %sub3A_374 = arith.subi %add3A_203, %sub3A : i32
        %ge3A = arith.constant 0 : i32
        %ge3A_375 = arith.cmpi sge, %sub3A_374, %ge3A : i32
        %convert_element_type3A_376 = arith.extui %ge3A_375 : i1 to i32
        %cond3A_377 = arith.constant 0 : i32
        %cond3A_378 = arith.cmpi ne, %convert_element_type3A_376, %cond3A_377 : i32
        scf.if %cond3A_378 {
          %sub3A_393 = arith.constant 5 : i32
          %sub3A_394 = arith.subi %add3A_203, %sub3A_393 : i32
          %mul3A_395 = arith.constant 128 : i32
          %mul3A_396 = arith.muli %sub3A_394, %mul3A_395 : i32
          %add3A_397 = arith.addi %mul3A_2, %mul3A_396 : i32
          %dma_wait3A_398 = arith.constant 0 : i32
          %dma_wait3A_399 = arith.constant 0 : i32
          %dma_wait3A_400 = arith.constant 0 : i32
          %dma_wait3A_401 = arith.constant 0 : i32
          %dma_wait3A_402 = tpu.memref_slice %arg6[%dma_wait3A_398, %dma_wait3A_400, %dma_wait3A_401] : memref<5x128x128xf32, #tpu.memory_space<vmem>> -> memref<1x128x128xf32, #tpu.memory_space<vmem>>
          %dma_wait3A_403 = tpu.memref_squeeze %dma_wait3A_402 : memref<1x128x128xf32, #tpu.memory_space<vmem>> -> memref<128x128xf32, #tpu.memory_space<vmem>>
          %dma_wait3A_404 = arith.constant 0 : i32
          %dma_wait3A_405 = tpu.memref_slice %arg4[%add3A_397, %dma_wait3A_404] : memref<204800x128xf32, #tpu.memory_space<hbm>> -> memref<128x128xf32, #tpu.memory_space<hbm>>
          %dma_wait3A_406 = tpu.memref_slice %arg8[%dma_wait3A_399] : memref<5x!tpu.dma_semaphore, #tpu.memory_space<semaphore_mem>> -> memref<1x!tpu.dma_semaphore, #tpu.memory_space<semaphore_mem>>
          %dma_wait3A_407 = tpu.memref_squeeze %dma_wait3A_406 : memref<1x!tpu.dma_semaphore, #tpu.memory_space<semaphore_mem>> -> memref<!tpu.dma_semaphore, #tpu.memory_space<semaphore_mem>>
          %dma_wait3A_408 = arith.constant 0 : i32
          %dma_wait3A_409 = tpu.memref_slice %arg4[%add3A_397, %dma_wait3A_408] : memref<204800x128xf32, #tpu.memory_space<hbm>> -> memref<128x128xf32, #tpu.memory_space<hbm>>
          %dma_wait3A_410 = arith.constant 0 : i32
          %dma_wait3A_411 = arith.constant 0 : i32
          %dma_wait3A_412 = tpu.memref_slice %arg6[%dma_wait3A_398, %dma_wait3A_410, %dma_wait3A_411] : memref<5x128x128xf32, #tpu.memory_space<vmem>> -> memref<1x128x128xf32, #tpu.memory_space<vmem>>
          %dma_wait3A_413 = tpu.memref_squeeze %dma_wait3A_412 : memref<1x128x128xf32, #tpu.memory_space<vmem>> -> memref<128x128xf32, #tpu.memory_space<vmem>>
          tpu.wait_dma2 semaphore(%dma_wait3A_407 : memref<!tpu.dma_semaphore, #tpu.memory_space<semaphore_mem>>) src(%dma_wait3A_413 : memref<128x128xf32, #tpu.memory_space<vmem>>) dst(%dma_wait3A_409 : memref<128x128xf32, #tpu.memory_space<hbm>>)
        } else {
        }
        %dma_start3A_379 = arith.constant 0 : i32
        %dma_start3A_380 = arith.constant 0 : i32
        %dma_start3A_381 = arith.constant 0 : i32
        %dma_start3A_382 = arith.constant 0 : i32
        %dma_start3A_383 = tpu.memref_slice %arg6[%dma_start3A_379, %dma_start3A_381, %dma_start3A_382] : memref<5x128x128xf32, #tpu.memory_space<vmem>> -> memref<1x128x128xf32, #tpu.memory_space<vmem>>
        %dma_start3A_384 = tpu.memref_squeeze %dma_start3A_383 : memref<1x128x128xf32, #tpu.memory_space<vmem>> -> memref<128x128xf32, #tpu.memory_space<vmem>>
        %dma_start3A_385 = arith.constant 0 : i32
        %dma_start3A_386 = tpu.memref_slice %arg5[%add3A_203, %dma_start3A_385] : memref<50x128xi32, #tpu.memory_space<vmem>> -> memref<1x128xi32, #tpu.memory_space<vmem>>
        %dma_start3A_387 = tpu.memref_squeeze %dma_start3A_386 : memref<1x128xi32, #tpu.memory_space<vmem>> -> memref<128xi32, #tpu.memory_space<vmem>>
        %dma_start3A_388 = arith.constant 0 : i32
        %dma_start3A_389 = arith.constant 0 : i32
        %dma_start3A_390 = tpu.memref_slice %arg3[%dma_start3A_388, %dma_start3A_389] : memref<100000x128xf32, #tpu.memory_space<hbm>> -> memref<100000x128xf32, #tpu.memory_space<hbm>>
        %dma_start3A_391 = tpu.memref_slice %arg7[%dma_start3A_380] : memref<5x!tpu.dma_semaphore, #tpu.memory_space<semaphore_mem>> -> memref<1x!tpu.dma_semaphore, #tpu.memory_space<semaphore_mem>>
        %dma_start3A_392 = tpu.memref_squeeze %dma_start3A_391 : memref<1x!tpu.dma_semaphore, #tpu.memory_space<semaphore_mem>> -> memref<!tpu.dma_semaphore, #tpu.memory_space<semaphore_mem>>
        tpu.enqueue_indirect_dma source(%dma_start3A_390 : memref<100000x128xf32, #tpu.memory_space<hbm>>) target(%dma_start3A_384 : memref<128x128xf32, #tpu.memory_space<vmem>>) offsets(%dma_start3A_387 : memref<128xi32, #tpu.memory_space<vmem>>) semaphore(%dma_start3A_392 : memref<!tpu.dma_semaphore, #tpu.memory_space<semaphore_mem>>)
      } else {
      }
      %dma_wait3A_209 = arith.constant 1 : i32
      %dma_wait3A_210 = arith.constant 1 : i32
      %dma_wait3A_211 = arith.constant 0 : i32
      %dma_wait3A_212 = arith.constant 0 : i32
      %dma_wait3A_213 = tpu.memref_slice %arg6[%dma_wait3A_209, %dma_wait3A_211, %dma_wait3A_212] : memref<5x128x128xf32, #tpu.memory_space<vmem>> -> memref<1x128x128xf32, #tpu.memory_space<vmem>>
      %dma_wait3A_214 = tpu.memref_squeeze %dma_wait3A_213 : memref<1x128x128xf32, #tpu.memory_space<vmem>> -> memref<128x128xf32, #tpu.memory_space<vmem>>
      %dma_wait3A_215 = arith.constant 0 : i32
      %dma_wait3A_216 = tpu.memref_slice %arg5[%add3A_201, %dma_wait3A_215] : memref<50x128xi32, #tpu.memory_space<vmem>> -> memref<1x128xi32, #tpu.memory_space<vmem>>
      %dma_wait3A_217 = tpu.memref_squeeze %dma_wait3A_216 : memref<1x128xi32, #tpu.memory_space<vmem>> -> memref<128xi32, #tpu.memory_space<vmem>>
      %dma_wait3A_218 = arith.constant 0 : i32
      %dma_wait3A_219 = arith.constant 0 : i32
      %dma_wait3A_220 = tpu.memref_slice %arg3[%dma_wait3A_218, %dma_wait3A_219] : memref<100000x128xf32, #tpu.memory_space<hbm>> -> memref<100000x128xf32, #tpu.memory_space<hbm>>
      %dma_wait3A_221 = tpu.memref_slice %arg7[%dma_wait3A_210] : memref<5x!tpu.dma_semaphore, #tpu.memory_space<semaphore_mem>> -> memref<1x!tpu.dma_semaphore, #tpu.memory_space<semaphore_mem>>
      %dma_wait3A_222 = tpu.memref_squeeze %dma_wait3A_221 : memref<1x!tpu.dma_semaphore, #tpu.memory_space<semaphore_mem>> -> memref<!tpu.dma_semaphore, #tpu.memory_space<semaphore_mem>>
      tpu.wait_indirect_dma semaphore(%dma_wait3A_222 : memref<!tpu.dma_semaphore, #tpu.memory_space<semaphore_mem>>) src(%dma_wait3A_220 : memref<100000x128xf32, #tpu.memory_space<hbm>>) dst(%dma_wait3A_214 : memref<128x128xf32, #tpu.memory_space<vmem>>)
      %mul3A_223 = arith.constant 128 : i32
      %mul3A_224 = arith.muli %add3A_201, %mul3A_223 : i32
      %add3A_225 = arith.addi %mul3A_2, %mul3A_224 : i32
      %dma_start3A_226 = arith.constant 1 : i32
      %dma_start3A_227 = arith.constant 1 : i32
      %dma_start3A_228 = arith.constant 0 : i32
      %dma_start3A_229 = arith.constant 0 : i32
      %dma_start3A_230 = tpu.memref_slice %arg6[%dma_start3A_226, %dma_start3A_228, %dma_start3A_229] : memref<5x128x128xf32, #tpu.memory_space<vmem>> -> memref<1x128x128xf32, #tpu.memory_space<vmem>>
      %dma_start3A_231 = tpu.memref_squeeze %dma_start3A_230 : memref<1x128x128xf32, #tpu.memory_space<vmem>> -> memref<128x128xf32, #tpu.memory_space<vmem>>
      %dma_start3A_232 = arith.constant 0 : i32
      %dma_start3A_233 = tpu.memref_slice %arg4[%add3A_225, %dma_start3A_232] : memref<204800x128xf32, #tpu.memory_space<hbm>> -> memref<128x128xf32, #tpu.memory_space<hbm>>
      %dma_start3A_234 = tpu.memref_slice %arg8[%dma_start3A_227] : memref<5x!tpu.dma_semaphore, #tpu.memory_space<semaphore_mem>> -> memref<1x!tpu.dma_semaphore, #tpu.memory_space<semaphore_mem>>
      %dma_start3A_235 = tpu.memref_squeeze %dma_start3A_234 : memref<1x!tpu.dma_semaphore, #tpu.memory_space<semaphore_mem>> -> memref<!tpu.dma_semaphore, #tpu.memory_space<semaphore_mem>>
      %dma_start3A_236 = arith.constant 0 : i32
      %dma_start3A_237 = tpu.memref_slice %arg4[%add3A_225, %dma_start3A_236] : memref<204800x128xf32, #tpu.memory_space<hbm>> -> memref<128x128xf32, #tpu.memory_space<hbm>>
      %dma_start3A_238 = arith.constant 0 : i32
      %dma_start3A_239 = arith.constant 0 : i32
      %dma_start3A_240 = tpu.memref_slice %arg6[%dma_start3A_226, %dma_start3A_238, %dma_start3A_239] : memref<5x128x128xf32, #tpu.memory_space<vmem>> -> memref<1x128x128xf32, #tpu.memory_space<vmem>>
      %dma_start3A_241 = tpu.memref_squeeze %dma_start3A_240 : memref<1x128x128xf32, #tpu.memory_space<vmem>> -> memref<128x128xf32, #tpu.memory_space<vmem>>
      tpu.enqueue_dma source(%dma_start3A_241 : memref<128x128xf32, #tpu.memory_space<vmem>>) target(%dma_start3A_237 : memref<128x128xf32, #tpu.memory_space<hbm>>) target_semaphore(%dma_start3A_235 : memref<!tpu.dma_semaphore, #tpu.memory_space<semaphore_mem>>)
      %mul3A_242 = arith.constant 5 : i32
      %mul3A_243 = arith.muli %scan3A_156, %mul3A_242 : i32
      %add3A_244 = arith.constant 2 : i32
      %add3A_245 = arith.addi %mul3A_243, %add3A_244 : i32
      %add3A_246 = arith.constant 4 : i32
      %add3A_247 = arith.addi %add3A_245, %add3A_246 : i32
      %lt3A_248 = arith.constant 50 : i32
      %lt3A_249 = arith.cmpi slt, %add3A_247, %lt3A_248 : i32
      %convert_element_type3A_250 = arith.extui %lt3A_249 : i1 to i32
      %cond3A_251 = arith.constant 0 : i32
      %cond3A_252 = arith.cmpi ne, %convert_element_type3A_250, %cond3A_251 : i32
      scf.if %cond3A_252 {
        %sub3A = arith.constant 5 : i32
        %sub3A_374 = arith.subi %add3A_247, %sub3A : i32
        %ge3A = arith.constant 0 : i32
        %ge3A_375 = arith.cmpi sge, %sub3A_374, %ge3A : i32
        %convert_element_type3A_376 = arith.extui %ge3A_375 : i1 to i32
        %cond3A_377 = arith.constant 0 : i32
        %cond3A_378 = arith.cmpi ne, %convert_element_type3A_376, %cond3A_377 : i32
        scf.if %cond3A_378 {
          %sub3A_393 = arith.constant 5 : i32
          %sub3A_394 = arith.subi %add3A_247, %sub3A_393 : i32
          %mul3A_395 = arith.constant 128 : i32
          %mul3A_396 = arith.muli %sub3A_394, %mul3A_395 : i32
          %add3A_397 = arith.addi %mul3A_2, %mul3A_396 : i32
          %dma_wait3A_398 = arith.constant 1 : i32
          %dma_wait3A_399 = arith.constant 1 : i32
          %dma_wait3A_400 = arith.constant 0 : i32
          %dma_wait3A_401 = arith.constant 0 : i32
          %dma_wait3A_402 = tpu.memref_slice %arg6[%dma_wait3A_398, %dma_wait3A_400, %dma_wait3A_401] : memref<5x128x128xf32, #tpu.memory_space<vmem>> -> memref<1x128x128xf32, #tpu.memory_space<vmem>>
          %dma_wait3A_403 = tpu.memref_squeeze %dma_wait3A_402 : memref<1x128x128xf32, #tpu.memory_space<vmem>> -> memref<128x128xf32, #tpu.memory_space<vmem>>
          %dma_wait3A_404 = arith.constant 0 : i32
          %dma_wait3A_405 = tpu.memref_slice %arg4[%add3A_397, %dma_wait3A_404] : memref<204800x128xf32, #tpu.memory_space<hbm>> -> memref<128x128xf32, #tpu.memory_space<hbm>>
          %dma_wait3A_406 = tpu.memref_slice %arg8[%dma_wait3A_399] : memref<5x!tpu.dma_semaphore, #tpu.memory_space<semaphore_mem>> -> memref<1x!tpu.dma_semaphore, #tpu.memory_space<semaphore_mem>>
          %dma_wait3A_407 = tpu.memref_squeeze %dma_wait3A_406 : memref<1x!tpu.dma_semaphore, #tpu.memory_space<semaphore_mem>> -> memref<!tpu.dma_semaphore, #tpu.memory_space<semaphore_mem>>
          %dma_wait3A_408 = arith.constant 0 : i32
          %dma_wait3A_409 = tpu.memref_slice %arg4[%add3A_397, %dma_wait3A_408] : memref<204800x128xf32, #tpu.memory_space<hbm>> -> memref<128x128xf32, #tpu.memory_space<hbm>>
          %dma_wait3A_410 = arith.constant 0 : i32
          %dma_wait3A_411 = arith.constant 0 : i32
          %dma_wait3A_412 = tpu.memref_slice %arg6[%dma_wait3A_398, %dma_wait3A_410, %dma_wait3A_411] : memref<5x128x128xf32, #tpu.memory_space<vmem>> -> memref<1x128x128xf32, #tpu.memory_space<vmem>>
          %dma_wait3A_413 = tpu.memref_squeeze %dma_wait3A_412 : memref<1x128x128xf32, #tpu.memory_space<vmem>> -> memref<128x128xf32, #tpu.memory_space<vmem>>
          tpu.wait_dma2 semaphore(%dma_wait3A_407 : memref<!tpu.dma_semaphore, #tpu.memory_space<semaphore_mem>>) src(%dma_wait3A_413 : memref<128x128xf32, #tpu.memory_space<vmem>>) dst(%dma_wait3A_409 : memref<128x128xf32, #tpu.memory_space<hbm>>)
        } else {
        }
        %dma_start3A_379 = arith.constant 1 : i32
        %dma_start3A_380 = arith.constant 1 : i32
        %dma_start3A_381 = arith.constant 0 : i32
        %dma_start3A_382 = arith.constant 0 : i32
        %dma_start3A_383 = tpu.memref_slice %arg6[%dma_start3A_379, %dma_start3A_381, %dma_start3A_382] : memref<5x128x128xf32, #tpu.memory_space<vmem>> -> memref<1x128x128xf32, #tpu.memory_space<vmem>>
        %dma_start3A_384 = tpu.memref_squeeze %dma_start3A_383 : memref<1x128x128xf32, #tpu.memory_space<vmem>> -> memref<128x128xf32, #tpu.memory_space<vmem>>
        %dma_start3A_385 = arith.constant 0 : i32
        %dma_start3A_386 = tpu.memref_slice %arg5[%add3A_247, %dma_start3A_385] : memref<50x128xi32, #tpu.memory_space<vmem>> -> memref<1x128xi32, #tpu.memory_space<vmem>>
        %dma_start3A_387 = tpu.memref_squeeze %dma_start3A_386 : memref<1x128xi32, #tpu.memory_space<vmem>> -> memref<128xi32, #tpu.memory_space<vmem>>
        %dma_start3A_388 = arith.constant 0 : i32
        %dma_start3A_389 = arith.constant 0 : i32
        %dma_start3A_390 = tpu.memref_slice %arg3[%dma_start3A_388, %dma_start3A_389] : memref<100000x128xf32, #tpu.memory_space<hbm>> -> memref<100000x128xf32, #tpu.memory_space<hbm>>
        %dma_start3A_391 = tpu.memref_slice %arg7[%dma_start3A_380] : memref<5x!tpu.dma_semaphore, #tpu.memory_space<semaphore_mem>> -> memref<1x!tpu.dma_semaphore, #tpu.memory_space<semaphore_mem>>
        %dma_start3A_392 = tpu.memref_squeeze %dma_start3A_391 : memref<1x!tpu.dma_semaphore, #tpu.memory_space<semaphore_mem>> -> memref<!tpu.dma_semaphore, #tpu.memory_space<semaphore_mem>>
        tpu.enqueue_indirect_dma source(%dma_start3A_390 : memref<100000x128xf32, #tpu.memory_space<hbm>>) target(%dma_start3A_384 : memref<128x128xf32, #tpu.memory_space<vmem>>) offsets(%dma_start3A_387 : memref<128xi32, #tpu.memory_space<vmem>>) semaphore(%dma_start3A_392 : memref<!tpu.dma_semaphore, #tpu.memory_space<semaphore_mem>>)
      } else {
      }
      %dma_wait3A_253 = arith.constant 2 : i32
      %dma_wait3A_254 = arith.constant 2 : i32
      %dma_wait3A_255 = arith.constant 0 : i32
      %dma_wait3A_256 = arith.constant 0 : i32
      %dma_wait3A_257 = tpu.memref_slice %arg6[%dma_wait3A_253, %dma_wait3A_255, %dma_wait3A_256] : memref<5x128x128xf32, #tpu.memory_space<vmem>> -> memref<1x128x128xf32, #tpu.memory_space<vmem>>
      %dma_wait3A_258 = tpu.memref_squeeze %dma_wait3A_257 : memref<1x128x128xf32, #tpu.memory_space<vmem>> -> memref<128x128xf32, #tpu.memory_space<vmem>>
      %dma_wait3A_259 = arith.constant 0 : i32
      %dma_wait3A_260 = tpu.memref_slice %arg5[%add3A_245, %dma_wait3A_259] : memref<50x128xi32, #tpu.memory_space<vmem>> -> memref<1x128xi32, #tpu.memory_space<vmem>>
      %dma_wait3A_261 = tpu.memref_squeeze %dma_wait3A_260 : memref<1x128xi32, #tpu.memory_space<vmem>> -> memref<128xi32, #tpu.memory_space<vmem>>
      %dma_wait3A_262 = arith.constant 0 : i32
      %dma_wait3A_263 = arith.constant 0 : i32
      %dma_wait3A_264 = tpu.memref_slice %arg3[%dma_wait3A_262, %dma_wait3A_263] : memref<100000x128xf32, #tpu.memory_space<hbm>> -> memref<100000x128xf32, #tpu.memory_space<hbm>>
      %dma_wait3A_265 = tpu.memref_slice %arg7[%dma_wait3A_254] : memref<5x!tpu.dma_semaphore, #tpu.memory_space<semaphore_mem>> -> memref<1x!tpu.dma_semaphore, #tpu.memory_space<semaphore_mem>>
      %dma_wait3A_266 = tpu.memref_squeeze %dma_wait3A_265 : memref<1x!tpu.dma_semaphore, #tpu.memory_space<semaphore_mem>> -> memref<!tpu.dma_semaphore, #tpu.memory_space<semaphore_mem>>
      tpu.wait_indirect_dma semaphore(%dma_wait3A_266 : memref<!tpu.dma_semaphore, #tpu.memory_space<semaphore_mem>>) src(%dma_wait3A_264 : memref<100000x128xf32, #tpu.memory_space<hbm>>) dst(%dma_wait3A_258 : memref<128x128xf32, #tpu.memory_space<vmem>>)
      %mul3A_267 = arith.constant 128 : i32
      %mul3A_268 = arith.muli %add3A_245, %mul3A_267 : i32
      %add3A_269 = arith.addi %mul3A_2, %mul3A_268 : i32
      %dma_start3A_270 = arith.constant 2 : i32
      %dma_start3A_271 = arith.constant 2 : i32
      %dma_start3A_272 = arith.constant 0 : i32
      %dma_start3A_273 = arith.constant 0 : i32
      %dma_start3A_274 = tpu.memref_slice %arg6[%dma_start3A_270, %dma_start3A_272, %dma_start3A_273] : memref<5x128x128xf32, #tpu.memory_space<vmem>> -> memref<1x128x128xf32, #tpu.memory_space<vmem>>
      %dma_start3A_275 = tpu.memref_squeeze %dma_start3A_274 : memref<1x128x128xf32, #tpu.memory_space<vmem>> -> memref<128x128xf32, #tpu.memory_space<vmem>>
      %dma_start3A_276 = arith.constant 0 : i32
      %dma_start3A_277 = tpu.memref_slice %arg4[%add3A_269, %dma_start3A_276] : memref<204800x128xf32, #tpu.memory_space<hbm>> -> memref<128x128xf32, #tpu.memory_space<hbm>>
      %dma_start3A_278 = tpu.memref_slice %arg8[%dma_start3A_271] : memref<5x!tpu.dma_semaphore, #tpu.memory_space<semaphore_mem>> -> memref<1x!tpu.dma_semaphore, #tpu.memory_space<semaphore_mem>>
      %dma_start3A_279 = tpu.memref_squeeze %dma_start3A_278 : memref<1x!tpu.dma_semaphore, #tpu.memory_space<semaphore_mem>> -> memref<!tpu.dma_semaphore, #tpu.memory_space<semaphore_mem>>
      %dma_start3A_280 = arith.constant 0 : i32
      %dma_start3A_281 = tpu.memref_slice %arg4[%add3A_269, %dma_start3A_280] : memref<204800x128xf32, #tpu.memory_space<hbm>> -> memref<128x128xf32, #tpu.memory_space<hbm>>
      %dma_start3A_282 = arith.constant 0 : i32
      %dma_start3A_283 = arith.constant 0 : i32
      %dma_start3A_284 = tpu.memref_slice %arg6[%dma_start3A_270, %dma_start3A_282, %dma_start3A_283] : memref<5x128x128xf32, #tpu.memory_space<vmem>> -> memref<1x128x128xf32, #tpu.memory_space<vmem>>
      %dma_start3A_285 = tpu.memref_squeeze %dma_start3A_284 : memref<1x128x128xf32, #tpu.memory_space<vmem>> -> memref<128x128xf32, #tpu.memory_space<vmem>>
      tpu.enqueue_dma source(%dma_start3A_285 : memref<128x128xf32, #tpu.memory_space<vmem>>) target(%dma_start3A_281 : memref<128x128xf32, #tpu.memory_space<hbm>>) target_semaphore(%dma_start3A_279 : memref<!tpu.dma_semaphore, #tpu.memory_space<semaphore_mem>>)
      %mul3A_286 = arith.constant 5 : i32
      %mul3A_287 = arith.muli %scan3A_156, %mul3A_286 : i32
      %add3A_288 = arith.constant 3 : i32
      %add3A_289 = arith.addi %mul3A_287, %add3A_288 : i32
      %add3A_290 = arith.constant 4 : i32
      %add3A_291 = arith.addi %add3A_289, %add3A_290 : i32
      %lt3A_292 = arith.constant 50 : i32
      %lt3A_293 = arith.cmpi slt, %add3A_291, %lt3A_292 : i32
      %convert_element_type3A_294 = arith.extui %lt3A_293 : i1 to i32
      %cond3A_295 = arith.constant 0 : i32
      %cond3A_296 = arith.cmpi ne, %convert_element_type3A_294, %cond3A_295 : i32
      scf.if %cond3A_296 {
        %sub3A = arith.constant 5 : i32
        %sub3A_374 = arith.subi %add3A_291, %sub3A : i32
        %ge3A = arith.constant 0 : i32
        %ge3A_375 = arith.cmpi sge, %sub3A_374, %ge3A : i32
        %convert_element_type3A_376 = arith.extui %ge3A_375 : i1 to i32
        %cond3A_377 = arith.constant 0 : i32
        %cond3A_378 = arith.cmpi ne, %convert_element_type3A_376, %cond3A_377 : i32
        scf.if %cond3A_378 {
          %sub3A_393 = arith.constant 5 : i32
          %sub3A_394 = arith.subi %add3A_291, %sub3A_393 : i32
          %mul3A_395 = arith.constant 128 : i32
          %mul3A_396 = arith.muli %sub3A_394, %mul3A_395 : i32
          %add3A_397 = arith.addi %mul3A_2, %mul3A_396 : i32
          %dma_wait3A_398 = arith.constant 2 : i32
          %dma_wait3A_399 = arith.constant 2 : i32
          %dma_wait3A_400 = arith.constant 0 : i32
          %dma_wait3A_401 = arith.constant 0 : i32
          %dma_wait3A_402 = tpu.memref_slice %arg6[%dma_wait3A_398, %dma_wait3A_400, %dma_wait3A_401] : memref<5x128x128xf32, #tpu.memory_space<vmem>> -> memref<1x128x128xf32, #tpu.memory_space<vmem>>
          %dma_wait3A_403 = tpu.memref_squeeze %dma_wait3A_402 : memref<1x128x128xf32, #tpu.memory_space<vmem>> -> memref<128x128xf32, #tpu.memory_space<vmem>>
          %dma_wait3A_404 = arith.constant 0 : i32
          %dma_wait3A_405 = tpu.memref_slice %arg4[%add3A_397, %dma_wait3A_404] : memref<204800x128xf32, #tpu.memory_space<hbm>> -> memref<128x128xf32, #tpu.memory_space<hbm>>
          %dma_wait3A_406 = tpu.memref_slice %arg8[%dma_wait3A_399] : memref<5x!tpu.dma_semaphore, #tpu.memory_space<semaphore_mem>> -> memref<1x!tpu.dma_semaphore, #tpu.memory_space<semaphore_mem>>
          %dma_wait3A_407 = tpu.memref_squeeze %dma_wait3A_406 : memref<1x!tpu.dma_semaphore, #tpu.memory_space<semaphore_mem>> -> memref<!tpu.dma_semaphore, #tpu.memory_space<semaphore_mem>>
          %dma_wait3A_408 = arith.constant 0 : i32
          %dma_wait3A_409 = tpu.memref_slice %arg4[%add3A_397, %dma_wait3A_408] : memref<204800x128xf32, #tpu.memory_space<hbm>> -> memref<128x128xf32, #tpu.memory_space<hbm>>
          %dma_wait3A_410 = arith.constant 0 : i32
          %dma_wait3A_411 = arith.constant 0 : i32
          %dma_wait3A_412 = tpu.memref_slice %arg6[%dma_wait3A_398, %dma_wait3A_410, %dma_wait3A_411] : memref<5x128x128xf32, #tpu.memory_space<vmem>> -> memref<1x128x128xf32, #tpu.memory_space<vmem>>
          %dma_wait3A_413 = tpu.memref_squeeze %dma_wait3A_412 : memref<1x128x128xf32, #tpu.memory_space<vmem>> -> memref<128x128xf32, #tpu.memory_space<vmem>>
          tpu.wait_dma2 semaphore(%dma_wait3A_407 : memref<!tpu.dma_semaphore, #tpu.memory_space<semaphore_mem>>) src(%dma_wait3A_413 : memref<128x128xf32, #tpu.memory_space<vmem>>) dst(%dma_wait3A_409 : memref<128x128xf32, #tpu.memory_space<hbm>>)
        } else {
        }
        %dma_start3A_379 = arith.constant 2 : i32
        %dma_start3A_380 = arith.constant 2 : i32
        %dma_start3A_381 = arith.constant 0 : i32
        %dma_start3A_382 = arith.constant 0 : i32
        %dma_start3A_383 = tpu.memref_slice %arg6[%dma_start3A_379, %dma_start3A_381, %dma_start3A_382] : memref<5x128x128xf32, #tpu.memory_space<vmem>> -> memref<1x128x128xf32, #tpu.memory_space<vmem>>
        %dma_start3A_384 = tpu.memref_squeeze %dma_start3A_383 : memref<1x128x128xf32, #tpu.memory_space<vmem>> -> memref<128x128xf32, #tpu.memory_space<vmem>>
        %dma_start3A_385 = arith.constant 0 : i32
        %dma_start3A_386 = tpu.memref_slice %arg5[%add3A_291, %dma_start3A_385] : memref<50x128xi32, #tpu.memory_space<vmem>> -> memref<1x128xi32, #tpu.memory_space<vmem>>
        %dma_start3A_387 = tpu.memref_squeeze %dma_start3A_386 : memref<1x128xi32, #tpu.memory_space<vmem>> -> memref<128xi32, #tpu.memory_space<vmem>>
        %dma_start3A_388 = arith.constant 0 : i32
        %dma_start3A_389 = arith.constant 0 : i32
        %dma_start3A_390 = tpu.memref_slice %arg3[%dma_start3A_388, %dma_start3A_389] : memref<100000x128xf32, #tpu.memory_space<hbm>> -> memref<100000x128xf32, #tpu.memory_space<hbm>>
        %dma_start3A_391 = tpu.memref_slice %arg7[%dma_start3A_380] : memref<5x!tpu.dma_semaphore, #tpu.memory_space<semaphore_mem>> -> memref<1x!tpu.dma_semaphore, #tpu.memory_space<semaphore_mem>>
        %dma_start3A_392 = tpu.memref_squeeze %dma_start3A_391 : memref<1x!tpu.dma_semaphore, #tpu.memory_space<semaphore_mem>> -> memref<!tpu.dma_semaphore, #tpu.memory_space<semaphore_mem>>
        tpu.enqueue_indirect_dma source(%dma_start3A_390 : memref<100000x128xf32, #tpu.memory_space<hbm>>) target(%dma_start3A_384 : memref<128x128xf32, #tpu.memory_space<vmem>>) offsets(%dma_start3A_387 : memref<128xi32, #tpu.memory_space<vmem>>) semaphore(%dma_start3A_392 : memref<!tpu.dma_semaphore, #tpu.memory_space<semaphore_mem>>)
      } else {
      }
      %dma_wait3A_297 = arith.constant 3 : i32
      %dma_wait3A_298 = arith.constant 3 : i32
      %dma_wait3A_299 = arith.constant 0 : i32
      %dma_wait3A_300 = arith.constant 0 : i32
      %dma_wait3A_301 = tpu.memref_slice %arg6[%dma_wait3A_297, %dma_wait3A_299, %dma_wait3A_300] : memref<5x128x128xf32, #tpu.memory_space<vmem>> -> memref<1x128x128xf32, #tpu.memory_space<vmem>>
      %dma_wait3A_302 = tpu.memref_squeeze %dma_wait3A_301 : memref<1x128x128xf32, #tpu.memory_space<vmem>> -> memref<128x128xf32, #tpu.memory_space<vmem>>
      %dma_wait3A_303 = arith.constant 0 : i32
      %dma_wait3A_304 = tpu.memref_slice %arg5[%add3A_289, %dma_wait3A_303] : memref<50x128xi32, #tpu.memory_space<vmem>> -> memref<1x128xi32, #tpu.memory_space<vmem>>
      %dma_wait3A_305 = tpu.memref_squeeze %dma_wait3A_304 : memref<1x128xi32, #tpu.memory_space<vmem>> -> memref<128xi32, #tpu.memory_space<vmem>>
      %dma_wait3A_306 = arith.constant 0 : i32
      %dma_wait3A_307 = arith.constant 0 : i32
      %dma_wait3A_308 = tpu.memref_slice %arg3[%dma_wait3A_306, %dma_wait3A_307] : memref<100000x128xf32, #tpu.memory_space<hbm>> -> memref<100000x128xf32, #tpu.memory_space<hbm>>
      %dma_wait3A_309 = tpu.memref_slice %arg7[%dma_wait3A_298] : memref<5x!tpu.dma_semaphore, #tpu.memory_space<semaphore_mem>> -> memref<1x!tpu.dma_semaphore, #tpu.memory_space<semaphore_mem>>
      %dma_wait3A_310 = tpu.memref_squeeze %dma_wait3A_309 : memref<1x!tpu.dma_semaphore, #tpu.memory_space<semaphore_mem>> -> memref<!tpu.dma_semaphore, #tpu.memory_space<semaphore_mem>>
      tpu.wait_indirect_dma semaphore(%dma_wait3A_310 : memref<!tpu.dma_semaphore, #tpu.memory_space<semaphore_mem>>) src(%dma_wait3A_308 : memref<100000x128xf32, #tpu.memory_space<hbm>>) dst(%dma_wait3A_302 : memref<128x128xf32, #tpu.memory_space<vmem>>)
      %mul3A_311 = arith.constant 128 : i32
      %mul3A_312 = arith.muli %add3A_289, %mul3A_311 : i32
      %add3A_313 = arith.addi %mul3A_2, %mul3A_312 : i32
      %dma_start3A_314 = arith.constant 3 : i32
      %dma_start3A_315 = arith.constant 3 : i32
      %dma_start3A_316 = arith.constant 0 : i32
      %dma_start3A_317 = arith.constant 0 : i32
      %dma_start3A_318 = tpu.memref_slice %arg6[%dma_start3A_314, %dma_start3A_316, %dma_start3A_317] : memref<5x128x128xf32, #tpu.memory_space<vmem>> -> memref<1x128x128xf32, #tpu.memory_space<vmem>>
      %dma_start3A_319 = tpu.memref_squeeze %dma_start3A_318 : memref<1x128x128xf32, #tpu.memory_space<vmem>> -> memref<128x128xf32, #tpu.memory_space<vmem>>
      %dma_start3A_320 = arith.constant 0 : i32
      %dma_start3A_321 = tpu.memref_slice %arg4[%add3A_313, %dma_start3A_320] : memref<204800x128xf32, #tpu.memory_space<hbm>> -> memref<128x128xf32, #tpu.memory_space<hbm>>
      %dma_start3A_322 = tpu.memref_slice %arg8[%dma_start3A_315] : memref<5x!tpu.dma_semaphore, #tpu.memory_space<semaphore_mem>> -> memref<1x!tpu.dma_semaphore, #tpu.memory_space<semaphore_mem>>
      %dma_start3A_323 = tpu.memref_squeeze %dma_start3A_322 : memref<1x!tpu.dma_semaphore, #tpu.memory_space<semaphore_mem>> -> memref<!tpu.dma_semaphore, #tpu.memory_space<semaphore_mem>>
      %dma_start3A_324 = arith.constant 0 : i32
      %dma_start3A_325 = tpu.memref_slice %arg4[%add3A_313, %dma_start3A_324] : memref<204800x128xf32, #tpu.memory_space<hbm>> -> memref<128x128xf32, #tpu.memory_space<hbm>>
      %dma_start3A_326 = arith.constant 0 : i32
      %dma_start3A_327 = arith.constant 0 : i32
      %dma_start3A_328 = tpu.memref_slice %arg6[%dma_start3A_314, %dma_start3A_326, %dma_start3A_327] : memref<5x128x128xf32, #tpu.memory_space<vmem>> -> memref<1x128x128xf32, #tpu.memory_space<vmem>>
      %dma_start3A_329 = tpu.memref_squeeze %dma_start3A_328 : memref<1x128x128xf32, #tpu.memory_space<vmem>> -> memref<128x128xf32, #tpu.memory_space<vmem>>
      tpu.enqueue_dma source(%dma_start3A_329 : memref<128x128xf32, #tpu.memory_space<vmem>>) target(%dma_start3A_325 : memref<128x128xf32, #tpu.memory_space<hbm>>) target_semaphore(%dma_start3A_323 : memref<!tpu.dma_semaphore, #tpu.memory_space<semaphore_mem>>)
      %mul3A_330 = arith.constant 5 : i32
      %mul3A_331 = arith.muli %scan3A_156, %mul3A_330 : i32
      %add3A_332 = arith.constant 4 : i32
      %add3A_333 = arith.addi %mul3A_331, %add3A_332 : i32
      %add3A_334 = arith.constant 4 : i32
      %add3A_335 = arith.addi %add3A_333, %add3A_334 : i32
      %lt3A_336 = arith.constant 50 : i32
      %lt3A_337 = arith.cmpi slt, %add3A_335, %lt3A_336 : i32
      %convert_element_type3A_338 = arith.extui %lt3A_337 : i1 to i32
      %cond3A_339 = arith.constant 0 : i32
      %cond3A_340 = arith.cmpi ne, %convert_element_type3A_338, %cond3A_339 : i32
      scf.if %cond3A_340 {
        %sub3A = arith.constant 5 : i32
        %sub3A_374 = arith.subi %add3A_335, %sub3A : i32
        %ge3A = arith.constant 0 : i32
        %ge3A_375 = arith.cmpi sge, %sub3A_374, %ge3A : i32
        %convert_element_type3A_376 = arith.extui %ge3A_375 : i1 to i32
        %cond3A_377 = arith.constant 0 : i32
        %cond3A_378 = arith.cmpi ne, %convert_element_type3A_376, %cond3A_377 : i32
        scf.if %cond3A_378 {
          %sub3A_393 = arith.constant 5 : i32
          %sub3A_394 = arith.subi %add3A_335, %sub3A_393 : i32
          %mul3A_395 = arith.constant 128 : i32
          %mul3A_396 = arith.muli %sub3A_394, %mul3A_395 : i32
          %add3A_397 = arith.addi %mul3A_2, %mul3A_396 : i32
          %dma_wait3A_398 = arith.constant 3 : i32
          %dma_wait3A_399 = arith.constant 3 : i32
          %dma_wait3A_400 = arith.constant 0 : i32
          %dma_wait3A_401 = arith.constant 0 : i32
          %dma_wait3A_402 = tpu.memref_slice %arg6[%dma_wait3A_398, %dma_wait3A_400, %dma_wait3A_401] : memref<5x128x128xf32, #tpu.memory_space<vmem>> -> memref<1x128x128xf32, #tpu.memory_space<vmem>>
          %dma_wait3A_403 = tpu.memref_squeeze %dma_wait3A_402 : memref<1x128x128xf32, #tpu.memory_space<vmem>> -> memref<128x128xf32, #tpu.memory_space<vmem>>
          %dma_wait3A_404 = arith.constant 0 : i32
          %dma_wait3A_405 = tpu.memref_slice %arg4[%add3A_397, %dma_wait3A_404] : memref<204800x128xf32, #tpu.memory_space<hbm>> -> memref<128x128xf32, #tpu.memory_space<hbm>>
          %dma_wait3A_406 = tpu.memref_slice %arg8[%dma_wait3A_399] : memref<5x!tpu.dma_semaphore, #tpu.memory_space<semaphore_mem>> -> memref<1x!tpu.dma_semaphore, #tpu.memory_space<semaphore_mem>>
          %dma_wait3A_407 = tpu.memref_squeeze %dma_wait3A_406 : memref<1x!tpu.dma_semaphore, #tpu.memory_space<semaphore_mem>> -> memref<!tpu.dma_semaphore, #tpu.memory_space<semaphore_mem>>
          %dma_wait3A_408 = arith.constant 0 : i32
          %dma_wait3A_409 = tpu.memref_slice %arg4[%add3A_397, %dma_wait3A_408] : memref<204800x128xf32, #tpu.memory_space<hbm>> -> memref<128x128xf32, #tpu.memory_space<hbm>>
          %dma_wait3A_410 = arith.constant 0 : i32
          %dma_wait3A_411 = arith.constant 0 : i32
          %dma_wait3A_412 = tpu.memref_slice %arg6[%dma_wait3A_398, %dma_wait3A_410, %dma_wait3A_411] : memref<5x128x128xf32, #tpu.memory_space<vmem>> -> memref<1x128x128xf32, #tpu.memory_space<vmem>>
          %dma_wait3A_413 = tpu.memref_squeeze %dma_wait3A_412 : memref<1x128x128xf32, #tpu.memory_space<vmem>> -> memref<128x128xf32, #tpu.memory_space<vmem>>
          tpu.wait_dma2 semaphore(%dma_wait3A_407 : memref<!tpu.dma_semaphore, #tpu.memory_space<semaphore_mem>>) src(%dma_wait3A_413 : memref<128x128xf32, #tpu.memory_space<vmem>>) dst(%dma_wait3A_409 : memref<128x128xf32, #tpu.memory_space<hbm>>)
        } else {
        }
        %dma_start3A_379 = arith.constant 3 : i32
        %dma_start3A_380 = arith.constant 3 : i32
        %dma_start3A_381 = arith.constant 0 : i32
        %dma_start3A_382 = arith.constant 0 : i32
        %dma_start3A_383 = tpu.memref_slice %arg6[%dma_start3A_379, %dma_start3A_381, %dma_start3A_382] : memref<5x128x128xf32, #tpu.memory_space<vmem>> -> memref<1x128x128xf32, #tpu.memory_space<vmem>>
        %dma_start3A_384 = tpu.memref_squeeze %dma_start3A_383 : memref<1x128x128xf32, #tpu.memory_space<vmem>> -> memref<128x128xf32, #tpu.memory_space<vmem>>
        %dma_start3A_385 = arith.constant 0 : i32
        %dma_start3A_386 = tpu.memref_slice %arg5[%add3A_335, %dma_start3A_385] : memref<50x128xi32, #tpu.memory_space<vmem>> -> memref<1x128xi32, #tpu.memory_space<vmem>>
        %dma_start3A_387 = tpu.memref_squeeze %dma_start3A_386 : memref<1x128xi32, #tpu.memory_space<vmem>> -> memref<128xi32, #tpu.memory_space<vmem>>
        %dma_start3A_388 = arith.constant 0 : i32
        %dma_start3A_389 = arith.constant 0 : i32
        %dma_start3A_390 = tpu.memref_slice %arg3[%dma_start3A_388, %dma_start3A_389] : memref<100000x128xf32, #tpu.memory_space<hbm>> -> memref<100000x128xf32, #tpu.memory_space<hbm>>
        %dma_start3A_391 = tpu.memref_slice %arg7[%dma_start3A_380] : memref<5x!tpu.dma_semaphore, #tpu.memory_space<semaphore_mem>> -> memref<1x!tpu.dma_semaphore, #tpu.memory_space<semaphore_mem>>
        %dma_start3A_392 = tpu.memref_squeeze %dma_start3A_391 : memref<1x!tpu.dma_semaphore, #tpu.memory_space<semaphore_mem>> -> memref<!tpu.dma_semaphore, #tpu.memory_space<semaphore_mem>>
        tpu.enqueue_indirect_dma source(%dma_start3A_390 : memref<100000x128xf32, #tpu.memory_space<hbm>>) target(%dma_start3A_384 : memref<128x128xf32, #tpu.memory_space<vmem>>) offsets(%dma_start3A_387 : memref<128xi32, #tpu.memory_space<vmem>>) semaphore(%dma_start3A_392 : memref<!tpu.dma_semaphore, #tpu.memory_space<semaphore_mem>>)
      } else {
      }
      %dma_wait3A_341 = arith.constant 4 : i32
      %dma_wait3A_342 = arith.constant 4 : i32
      %dma_wait3A_343 = arith.constant 0 : i32
      %dma_wait3A_344 = arith.constant 0 : i32
      %dma_wait3A_345 = tpu.memref_slice %arg6[%dma_wait3A_341, %dma_wait3A_343, %dma_wait3A_344] : memref<5x128x128xf32, #tpu.memory_space<vmem>> -> memref<1x128x128xf32, #tpu.memory_space<vmem>>
      %dma_wait3A_346 = tpu.memref_squeeze %dma_wait3A_345 : memref<1x128x128xf32, #tpu.memory_space<vmem>> -> memref<128x128xf32, #tpu.memory_space<vmem>>
      %dma_wait3A_347 = arith.constant 0 : i32
      %dma_wait3A_348 = tpu.memref_slice %arg5[%add3A_333, %dma_wait3A_347] : memref<50x128xi32, #tpu.memory_space<vmem>> -> memref<1x128xi32, #tpu.memory_space<vmem>>
      %dma_wait3A_349 = tpu.memref_squeeze %dma_wait3A_348 : memref<1x128xi32, #tpu.memory_space<vmem>> -> memref<128xi32, #tpu.memory_space<vmem>>
      %dma_wait3A_350 = arith.constant 0 : i32
      %dma_wait3A_351 = arith.constant 0 : i32
      %dma_wait3A_352 = tpu.memref_slice %arg3[%dma_wait3A_350, %dma_wait3A_351] : memref<100000x128xf32, #tpu.memory_space<hbm>> -> memref<100000x128xf32, #tpu.memory_space<hbm>>
      %dma_wait3A_353 = tpu.memref_slice %arg7[%dma_wait3A_342] : memref<5x!tpu.dma_semaphore, #tpu.memory_space<semaphore_mem>> -> memref<1x!tpu.dma_semaphore, #tpu.memory_space<semaphore_mem>>
      %dma_wait3A_354 = tpu.memref_squeeze %dma_wait3A_353 : memref<1x!tpu.dma_semaphore, #tpu.memory_space<semaphore_mem>> -> memref<!tpu.dma_semaphore, #tpu.memory_space<semaphore_mem>>
      tpu.wait_indirect_dma semaphore(%dma_wait3A_354 : memref<!tpu.dma_semaphore, #tpu.memory_space<semaphore_mem>>) src(%dma_wait3A_352 : memref<100000x128xf32, #tpu.memory_space<hbm>>) dst(%dma_wait3A_346 : memref<128x128xf32, #tpu.memory_space<vmem>>)
      %mul3A_355 = arith.constant 128 : i32
      %mul3A_356 = arith.muli %add3A_333, %mul3A_355 : i32
      %add3A_357 = arith.addi %mul3A_2, %mul3A_356 : i32
      %dma_start3A_358 = arith.constant 4 : i32
      %dma_start3A_359 = arith.constant 4 : i32
      %dma_start3A_360 = arith.constant 0 : i32
      %dma_start3A_361 = arith.constant 0 : i32
      %dma_start3A_362 = tpu.memref_slice %arg6[%dma_start3A_358, %dma_start3A_360, %dma_start3A_361] : memref<5x128x128xf32, #tpu.memory_space<vmem>> -> memref<1x128x128xf32, #tpu.memory_space<vmem>>
      %dma_start3A_363 = tpu.memref_squeeze %dma_start3A_362 : memref<1x128x128xf32, #tpu.memory_space<vmem>> -> memref<128x128xf32, #tpu.memory_space<vmem>>
      %dma_start3A_364 = arith.constant 0 : i32
      %dma_start3A_365 = tpu.memref_slice %arg4[%add3A_357, %dma_start3A_364] : memref<204800x128xf32, #tpu.memory_space<hbm>> -> memref<128x128xf32, #tpu.memory_space<hbm>>
      %dma_start3A_366 = tpu.memref_slice %arg8[%dma_start3A_359] : memref<5x!tpu.dma_semaphore, #tpu.memory_space<semaphore_mem>> -> memref<1x!tpu.dma_semaphore, #tpu.memory_space<semaphore_mem>>
      %dma_start3A_367 = tpu.memref_squeeze %dma_start3A_366 : memref<1x!tpu.dma_semaphore, #tpu.memory_space<semaphore_mem>> -> memref<!tpu.dma_semaphore, #tpu.memory_space<semaphore_mem>>
      %dma_start3A_368 = arith.constant 0 : i32
      %dma_start3A_369 = tpu.memref_slice %arg4[%add3A_357, %dma_start3A_368] : memref<204800x128xf32, #tpu.memory_space<hbm>> -> memref<128x128xf32, #tpu.memory_space<hbm>>
      %dma_start3A_370 = arith.constant 0 : i32
      %dma_start3A_371 = arith.constant 0 : i32
      %dma_start3A_372 = tpu.memref_slice %arg6[%dma_start3A_358, %dma_start3A_370, %dma_start3A_371] : memref<5x128x128xf32, #tpu.memory_space<vmem>> -> memref<1x128x128xf32, #tpu.memory_space<vmem>>
      %dma_start3A_373 = tpu.memref_squeeze %dma_start3A_372 : memref<1x128x128xf32, #tpu.memory_space<vmem>> -> memref<128x128xf32, #tpu.memory_space<vmem>>
      tpu.enqueue_dma source(%dma_start3A_373 : memref<128x128xf32, #tpu.memory_space<vmem>>) target(%dma_start3A_369 : memref<128x128xf32, #tpu.memory_space<hbm>>) target_semaphore(%dma_start3A_367 : memref<!tpu.dma_semaphore, #tpu.memory_space<semaphore_mem>>)
    }
    %scan3A_66 = arith.constant 10 : i32
    %add3A_67 = arith.constant 5760 : i32
    %add3A_68 = arith.addi %mul3A_2, %add3A_67 : i32
    %dma_wait3A = arith.constant 0 : i32
    %dma_wait3A_69 = arith.constant 0 : i32
    %dma_wait3A_70 = arith.constant 0 : i32
    %dma_wait3A_71 = arith.constant 0 : i32
    %dma_wait3A_72 = tpu.memref_slice %arg6[%dma_wait3A, %dma_wait3A_70, %dma_wait3A_71] : memref<5x128x128xf32, #tpu.memory_space<vmem>> -> memref<1x128x128xf32, #tpu.memory_space<vmem>>
    %dma_wait3A_73 = tpu.memref_squeeze %dma_wait3A_72 : memref<1x128x128xf32, #tpu.memory_space<vmem>> -> memref<128x128xf32, #tpu.memory_space<vmem>>
    %dma_wait3A_74 = arith.constant 0 : i32
    %dma_wait3A_75 = tpu.memref_slice %arg4[%add3A_68, %dma_wait3A_74] : memref<204800x128xf32, #tpu.memory_space<hbm>> -> memref<128x128xf32, #tpu.memory_space<hbm>>
    %dma_wait3A_76 = tpu.memref_slice %arg8[%dma_wait3A_69] : memref<5x!tpu.dma_semaphore, #tpu.memory_space<semaphore_mem>> -> memref<1x!tpu.dma_semaphore, #tpu.memory_space<semaphore_mem>>
    %dma_wait3A_77 = tpu.memref_squeeze %dma_wait3A_76 : memref<1x!tpu.dma_semaphore, #tpu.memory_space<semaphore_mem>> -> memref<!tpu.dma_semaphore, #tpu.memory_space<semaphore_mem>>
    %dma_wait3A_78 = arith.constant 0 : i32
    %dma_wait3A_79 = tpu.memref_slice %arg4[%add3A_68, %dma_wait3A_78] : memref<204800x128xf32, #tpu.memory_space<hbm>> -> memref<128x128xf32, #tpu.memory_space<hbm>>
    %dma_wait3A_80 = arith.constant 0 : i32
    %dma_wait3A_81 = arith.constant 0 : i32
    %dma_wait3A_82 = tpu.memref_slice %arg6[%dma_wait3A, %dma_wait3A_80, %dma_wait3A_81] : memref<5x128x128xf32, #tpu.memory_space<vmem>> -> memref<1x128x128xf32, #tpu.memory_space<vmem>>
    %dma_wait3A_83 = tpu.memref_squeeze %dma_wait3A_82 : memref<1x128x128xf32, #tpu.memory_space<vmem>> -> memref<128x128xf32, #tpu.memory_space<vmem>>
    tpu.wait_dma2 semaphore(%dma_wait3A_77 : memref<!tpu.dma_semaphore, #tpu.memory_space<semaphore_mem>>) src(%dma_wait3A_83 : memref<128x128xf32, #tpu.memory_space<vmem>>) dst(%dma_wait3A_79 : memref<128x128xf32, #tpu.memory_space<hbm>>)
    %add3A_84 = arith.constant 5888 : i32
    %add3A_85 = arith.addi %mul3A_2, %add3A_84 : i32
    %dma_wait3A_86 = arith.constant 1 : i32
    %dma_wait3A_87 = arith.constant 1 : i32
    %dma_wait3A_88 = arith.constant 0 : i32
    %dma_wait3A_89 = arith.constant 0 : i32
    %dma_wait3A_90 = tpu.memref_slice %arg6[%dma_wait3A_86, %dma_wait3A_88, %dma_wait3A_89] : memref<5x128x128xf32, #tpu.memory_space<vmem>> -> memref<1x128x128xf32, #tpu.memory_space<vmem>>
    %dma_wait3A_91 = tpu.memref_squeeze %dma_wait3A_90 : memref<1x128x128xf32, #tpu.memory_space<vmem>> -> memref<128x128xf32, #tpu.memory_space<vmem>>
    %dma_wait3A_92 = arith.constant 0 : i32
    %dma_wait3A_93 = tpu.memref_slice %arg4[%add3A_85, %dma_wait3A_92] : memref<204800x128xf32, #tpu.memory_space<hbm>> -> memref<128x128xf32, #tpu.memory_space<hbm>>
    %dma_wait3A_94 = tpu.memref_slice %arg8[%dma_wait3A_87] : memref<5x!tpu.dma_semaphore, #tpu.memory_space<semaphore_mem>> -> memref<1x!tpu.dma_semaphore, #tpu.memory_space<semaphore_mem>>
    %dma_wait3A_95 = tpu.memref_squeeze %dma_wait3A_94 : memref<1x!tpu.dma_semaphore, #tpu.memory_space<semaphore_mem>> -> memref<!tpu.dma_semaphore, #tpu.memory_space<semaphore_mem>>
    %dma_wait3A_96 = arith.constant 0 : i32
    %dma_wait3A_97 = tpu.memref_slice %arg4[%add3A_85, %dma_wait3A_96] : memref<204800x128xf32, #tpu.memory_space<hbm>> -> memref<128x128xf32, #tpu.memory_space<hbm>>
    %dma_wait3A_98 = arith.constant 0 : i32
    %dma_wait3A_99 = arith.constant 0 : i32
    %dma_wait3A_100 = tpu.memref_slice %arg6[%dma_wait3A_86, %dma_wait3A_98, %dma_wait3A_99] : memref<5x128x128xf32, #tpu.memory_space<vmem>> -> memref<1x128x128xf32, #tpu.memory_space<vmem>>
    %dma_wait3A_101 = tpu.memref_squeeze %dma_wait3A_100 : memref<1x128x128xf32, #tpu.memory_space<vmem>> -> memref<128x128xf32, #tpu.memory_space<vmem>>
    tpu.wait_dma2 semaphore(%dma_wait3A_95 : memref<!tpu.dma_semaphore, #tpu.memory_space<semaphore_mem>>) src(%dma_wait3A_101 : memref<128x128xf32, #tpu.memory_space<vmem>>) dst(%dma_wait3A_97 : memref<128x128xf32, #tpu.memory_space<hbm>>)
    %add3A_102 = arith.constant 6016 : i32
    %add3A_103 = arith.addi %mul3A_2, %add3A_102 : i32
    %dma_wait3A_104 = arith.constant 2 : i32
    %dma_wait3A_105 = arith.constant 2 : i32
    %dma_wait3A_106 = arith.constant 0 : i32
    %dma_wait3A_107 = arith.constant 0 : i32
    %dma_wait3A_108 = tpu.memref_slice %arg6[%dma_wait3A_104, %dma_wait3A_106, %dma_wait3A_107] : memref<5x128x128xf32, #tpu.memory_space<vmem>> -> memref<1x128x128xf32, #tpu.memory_space<vmem>>
    %dma_wait3A_109 = tpu.memref_squeeze %dma_wait3A_108 : memref<1x128x128xf32, #tpu.memory_space<vmem>> -> memref<128x128xf32, #tpu.memory_space<vmem>>
    %dma_wait3A_110 = arith.constant 0 : i32
    %dma_wait3A_111 = tpu.memref_slice %arg4[%add3A_103, %dma_wait3A_110] : memref<204800x128xf32, #tpu.memory_space<hbm>> -> memref<128x128xf32, #tpu.memory_space<hbm>>
    %dma_wait3A_112 = tpu.memref_slice %arg8[%dma_wait3A_105] : memref<5x!tpu.dma_semaphore, #tpu.memory_space<semaphore_mem>> -> memref<1x!tpu.dma_semaphore, #tpu.memory_space<semaphore_mem>>
    %dma_wait3A_113 = tpu.memref_squeeze %dma_wait3A_112 : memref<1x!tpu.dma_semaphore, #tpu.memory_space<semaphore_mem>> -> memref<!tpu.dma_semaphore, #tpu.memory_space<semaphore_mem>>
    %dma_wait3A_114 = arith.constant 0 : i32
    %dma_wait3A_115 = tpu.memref_slice %arg4[%add3A_103, %dma_wait3A_114] : memref<204800x128xf32, #tpu.memory_space<hbm>> -> memref<128x128xf32, #tpu.memory_space<hbm>>
    %dma_wait3A_116 = arith.constant 0 : i32
    %dma_wait3A_117 = arith.constant 0 : i32
    %dma_wait3A_118 = tpu.memref_slice %arg6[%dma_wait3A_104, %dma_wait3A_116, %dma_wait3A_117] : memref<5x128x128xf32, #tpu.memory_space<vmem>> -> memref<1x128x128xf32, #tpu.memory_space<vmem>>
    %dma_wait3A_119 = tpu.memref_squeeze %dma_wait3A_118 : memref<1x128x128xf32, #tpu.memory_space<vmem>> -> memref<128x128xf32, #tpu.memory_space<vmem>>
    tpu.wait_dma2 semaphore(%dma_wait3A_113 : memref<!tpu.dma_semaphore, #tpu.memory_space<semaphore_mem>>) src(%dma_wait3A_119 : memref<128x128xf32, #tpu.memory_space<vmem>>) dst(%dma_wait3A_115 : memref<128x128xf32, #tpu.memory_space<hbm>>)
    %add3A_120 = arith.constant 6144 : i32
    %add3A_121 = arith.addi %mul3A_2, %add3A_120 : i32
    %dma_wait3A_122 = arith.constant 3 : i32
    %dma_wait3A_123 = arith.constant 3 : i32
    %dma_wait3A_124 = arith.constant 0 : i32
    %dma_wait3A_125 = arith.constant 0 : i32
    %dma_wait3A_126 = tpu.memref_slice %arg6[%dma_wait3A_122, %dma_wait3A_124, %dma_wait3A_125] : memref<5x128x128xf32, #tpu.memory_space<vmem>> -> memref<1x128x128xf32, #tpu.memory_space<vmem>>
    %dma_wait3A_127 = tpu.memref_squeeze %dma_wait3A_126 : memref<1x128x128xf32, #tpu.memory_space<vmem>> -> memref<128x128xf32, #tpu.memory_space<vmem>>
    %dma_wait3A_128 = arith.constant 0 : i32
    %dma_wait3A_129 = tpu.memref_slice %arg4[%add3A_121, %dma_wait3A_128] : memref<204800x128xf32, #tpu.memory_space<hbm>> -> memref<128x128xf32, #tpu.memory_space<hbm>>
    %dma_wait3A_130 = tpu.memref_slice %arg8[%dma_wait3A_123] : memref<5x!tpu.dma_semaphore, #tpu.memory_space<semaphore_mem>> -> memref<1x!tpu.dma_semaphore, #tpu.memory_space<semaphore_mem>>
    %dma_wait3A_131 = tpu.memref_squeeze %dma_wait3A_130 : memref<1x!tpu.dma_semaphore, #tpu.memory_space<semaphore_mem>> -> memref<!tpu.dma_semaphore, #tpu.memory_space<semaphore_mem>>
    %dma_wait3A_132 = arith.constant 0 : i32
    %dma_wait3A_133 = tpu.memref_slice %arg4[%add3A_121, %dma_wait3A_132] : memref<204800x128xf32, #tpu.memory_space<hbm>> -> memref<128x128xf32, #tpu.memory_space<hbm>>
    %dma_wait3A_134 = arith.constant 0 : i32
    %dma_wait3A_135 = arith.constant 0 : i32
    %dma_wait3A_136 = tpu.memref_slice %arg6[%dma_wait3A_122, %dma_wait3A_134, %dma_wait3A_135] : memref<5x128x128xf32, #tpu.memory_space<vmem>> -> memref<1x128x128xf32, #tpu.memory_space<vmem>>
    %dma_wait3A_137 = tpu.memref_squeeze %dma_wait3A_136 : memref<1x128x128xf32, #tpu.memory_space<vmem>> -> memref<128x128xf32, #tpu.memory_space<vmem>>
    tpu.wait_dma2 semaphore(%dma_wait3A_131 : memref<!tpu.dma_semaphore, #tpu.memory_space<semaphore_mem>>) src(%dma_wait3A_137 : memref<128x128xf32, #tpu.memory_space<vmem>>) dst(%dma_wait3A_133 : memref<128x128xf32, #tpu.memory_space<hbm>>)
    %add3A_138 = arith.constant 6272 : i32
    %add3A_139 = arith.addi %mul3A_2, %add3A_138 : i32
    %dma_wait3A_140 = arith.constant 4 : i32
    %dma_wait3A_141 = arith.constant 4 : i32
    %dma_wait3A_142 = arith.constant 0 : i32
    %dma_wait3A_143 = arith.constant 0 : i32
    %dma_wait3A_144 = tpu.memref_slice %arg6[%dma_wait3A_140, %dma_wait3A_142, %dma_wait3A_143] : memref<5x128x128xf32, #tpu.memory_space<vmem>> -> memref<1x128x128xf32, #tpu.memory_space<vmem>>
    %dma_wait3A_145 = tpu.memref_squeeze %dma_wait3A_144 : memref<1x128x128xf32, #tpu.memory_space<vmem>> -> memref<128x128xf32, #tpu.memory_space<vmem>>
    %dma_wait3A_146 = arith.constant 0 : i32
    %dma_wait3A_147 = tpu.memref_slice %arg4[%add3A_139, %dma_wait3A_146] : memref<204800x128xf32, #tpu.memory_space<hbm>> -> memref<128x128xf32, #tpu.memory_space<hbm>>
    %dma_wait3A_148 = tpu.memref_slice %arg8[%dma_wait3A_141] : memref<5x!tpu.dma_semaphore, #tpu.memory_space<semaphore_mem>> -> memref<1x!tpu.dma_semaphore, #tpu.memory_space<semaphore_mem>>
    %dma_wait3A_149 = tpu.memref_squeeze %dma_wait3A_148 : memref<1x!tpu.dma_semaphore, #tpu.memory_space<semaphore_mem>> -> memref<!tpu.dma_semaphore, #tpu.memory_space<semaphore_mem>>
    %dma_wait3A_150 = arith.constant 0 : i32
    %dma_wait3A_151 = tpu.memref_slice %arg4[%add3A_139, %dma_wait3A_150] : memref<204800x128xf32, #tpu.memory_space<hbm>> -> memref<128x128xf32, #tpu.memory_space<hbm>>
    %dma_wait3A_152 = arith.constant 0 : i32
    %dma_wait3A_153 = arith.constant 0 : i32
    %dma_wait3A_154 = tpu.memref_slice %arg6[%dma_wait3A_140, %dma_wait3A_152, %dma_wait3A_153] : memref<5x128x128xf32, #tpu.memory_space<vmem>> -> memref<1x128x128xf32, #tpu.memory_space<vmem>>
    %dma_wait3A_155 = tpu.memref_squeeze %dma_wait3A_154 : memref<1x128x128xf32, #tpu.memory_space<vmem>> -> memref<128x128xf32, #tpu.memory_space<vmem>>
    tpu.wait_dma2 semaphore(%dma_wait3A_149 : memref<!tpu.dma_semaphore, #tpu.memory_space<semaphore_mem>>) src(%dma_wait3A_155 : memref<128x128xf32, #tpu.memory_space<vmem>>) dst(%dma_wait3A_151 : memref<128x128xf32, #tpu.memory_space<hbm>>)
    return
  }
}

</mosaic_0001>

<sc_bundles>
// kernel: kernel.3.cloned.1.call-start
scs
__scs_entry_jumppad:
0x0: {  	(pc) =	sbr.rel $0x88, $3  }
0x1: {  	(tag) =	ssettag $0x0;
	lr =	simm.s32 $0x1  }
0x2: {  	[smem:$0x3F9F] =	sst lr;
	_ =	strace $0xD0000000  }
0x3: {  	_ = 	snop  }
0x4: {  	_ = 	snop  }
0x5: {  	_ = 	snop  }
0x6: {  	_ = 	snop  }
0x7: {  	_ = 	snop  }
__scs_overlays_trampoline_lowered:
0x8: {  	[smem:$0x3FAE] =	sst s0  }
0x9: {  	[smem:$0x3FAF] =	sst s1  }
0xa: {  	[smem:$0x3FB0] =	sst s2  }
0xb: {  	[smem:$0x3FB1] =	sst s3  }
0xc: {  	[smem:$0x3FB2] =	sst s4  }
0xd: {  	[smem:$0x3FB3] =	sst s5  }
0xe: {  	[smem:$0x3FB4] =	sst s6  }
0xf: {  	[smem:$0x3FB5] =	sst s7  }
0x10: {  	[smem:$0x3FB6] =	sst s8  }
0x11: {  	[smem:$0x3FB7] =	sst s9;
	s0 =	simm.s32 @!p0 $0x0  }
0x12: {  	s1 =	sld [smem:$0x3F9D];
	s0 =	simm.s32 @p0 $0x1  }
0x13: {  	[smem:$0x3FB8] =	sst s0;
	s0 =	simm.s32 @!p1 $0x0  }
0x14: {  	s2 =	sld [smem:$0x3F9C];
	s0 =	simm.s32 @p1 $0x1  }
0x15: {  	[smem:$0x3FB9] =	sst s0;
	s0 =	simm.s32 @!p2 $0x0  }
0x16: {  	s3 =	sld [smem:$0x3FDB];
	s0 =	simm.s32 @p2 $0x1  }
0x17: {  	s4 =	simm.s32 $0x1BF5;
	[smem:$0x3FBB] =	sst s0  }
0x18: {  	s0 =	sld [smem:$0x3F9E];
	_ =	swait.ge [sflag:s4], $0x0  }
0x19: {  	s7 =	sld [smem:$0x3F9F]  }
0x1a: {  	s8 =	sadd.s32 $0xFFFFE003, lr  }
0x1b: {  	s9 =	sadd.s32 $0xFFFFFEF7, lr;
	s5 =	simm.s32 $0xFFFFFFFF;
	p2 =	slt.u32 s8, $0xFFFFF086  }
0x1c: {  	p1 =	slt.u32 s9, $0xF7A;
	s5 =	simm.s32 @!p2 $0x0  }
0x1d: {  	s5 =	simm.s32 @p1 $0x1;
	p0 =	seq.s32 s7, s2  }
0x1e: {  	s7 =	smul.u32 @!p0 $0xF7A, s2;
	p2 =	seq.s32 @!p0 s5, $0x0  }
0x1f: {  	s9 =	smul.u32 $0xF7A, s1;
	s8 =	simm.s32 @!p0 $0x1BF5;
	p2 =	por !p2, p0  }
0x20: {  	[sflag:s8] =	ssyncset.s32 @!p0 $0xFFFFF086;
	s6 =	sadd.s32 @!p0 s3, s7;
	s7 =	simm.s32 @!p0 $0x108  }
0x21: {  	s3 =	sadd.s32 s3, s9;
	s6 =	sadd.s32 @!p0 $0x88, s6;
	s7 =	simm.s32 @p2 $0x1082  }
0x22: {  	[simem:s7], [sflag:s8] =	dma.local @!p0 [hbm:s6], $0xF7A  }
0x23: {  	s9 =	sor.u32 $0xD0000000, s2;
	s6 =	simm.s32 $0x108;
	_ =	swait.ge @!p0 [sflag:s8], $0x0  }
0x24: {  	s3 =	sadd.s32 $0x88, s3;
	s6 =	simm.s32 @!p1 $0x1082;
	[sflag:s4] =	ssyncset.s32 $0xFFFFF086  }
0x25: {  	[simem:s6], [sflag:s4] =	dma.local [hbm:s3], $0xF7A  }
0x26: {  	[smem:$0x3F9F] =	sst s1;
	(tag) =	ssettag s2;
	_ =	strace s9  }
0x27: {  	s1 =	sld [smem:$0x3FAF]  }
0x28: {  	s2 =	sld [smem:$0x3FB0]  }
0x29: {  	s4 =	sld [smem:$0x3FB2]  }
0x2a: {  	p0 =	seq.s32 s5, $0x0;
	s5 =	sld [smem:$0x3FB3]  }
0x2b: {  	s6 =	sld [smem:$0x3FB4]  }
0x2c: {  	s7 =	sld [smem:$0x3FB5]  }
0x2d: {  	s3 =	simm.s32 $0x108;
	s8 =	sld [smem:$0x3FB6]  }
0x2e: {  	s3 =	simm.s32 @!p0 $0x1082;
	s9 =	sld [smem:$0x3FB7]  }
0x2f: {  	lr =	sadd.s32 s0, s3;
	s0 =	sld [smem:$0x3FAE]  }
0x30: {  	s3 =	sld [smem:$0x3FB1]  }
0x31: {  	[smem:$0x3FBA] =	sst s10  }
0x32: {  	s10 =	sld [smem:$0x3FB8];
	_ =	sdelay $0x3  }
0x33: {  	p0 =	seq.s32 s10, $0x1;
	s10 =	sld [smem:$0x3FBA];
	_ =	sdelay $0x3  }
0x34: {  	[smem:$0x3FBA] =	sst s10  }
0x35: {  	s10 =	sld [smem:$0x3FB9];
	_ =	sdelay $0x3  }
0x36: {  	p1 =	seq.s32 s10, $0x1;
	s10 =	sld [smem:$0x3FBA];
	_ =	sdelay $0x3  }
0x37: {  	[smem:$0x3FBA] =	sst s10  }
0x38: {  	s10 =	sld [smem:$0x3FBB]  }
0x39: {  	_ = 	snop;
	(pc) =	sbr.ind lr, $3  }
0x3a: {  	_ = 	snop  }
0x3b: {  	_ = 	snop  }
0x3c: {  	p2 =	seq.s32 s10, $0x1;
	s10 =	sld [smem:$0x3FBA]  }
0x3d: {  	_ =	shalt  }
0x3e: {  	_ =	shalt  }
0x3f: {  	_ =	shalt  }
0x40: {  	_ =	shalt  }
0x41: {  	_ =	shalt  }
0x42: {  	_ =	shalt  }
0x43: {  	_ =	shalt  }
0x44: {  	_ =	shalt  }
0x45: {  	_ =	shalt  }
0x46: {  	_ =	shalt  }
0x47: {  	_ =	shalt  }
0x48: {  	_ =	shalt  }
0x49: {  	_ =	shalt  }
0x4a: {  	_ =	shalt  }
0x4b: {  	_ =	shalt  }
0x4c: {  	_ =	shalt  }
0x4d: {  	_ =	shalt  }
0x4e: {  	_ =	shalt  }
0x4f: {  	_ =	shalt  }
0x50: {  	_ =	shalt  }
0x51: {  	_ =	shalt  }
0x52: {  	_ =	shalt  }
0x53: {  	_ =	shalt  }
0x54: {  	_ =	shalt  }
0x55: {  	_ =	shalt  }
0x56: {  	_ =	shalt  }
0x57: {  	_ =	shalt  }
0x58: {  	_ =	shalt  }
0x59: {  	_ =	shalt  }
0x5a: {  	_ =	shalt  }
0x5b: {  	_ =	shalt  }
0x5c: {  	_ =	shalt  }
0x5d: {  	_ =	shalt  }
0x5e: {  	_ =	shalt  }
0x5f: {  	_ =	shalt  }
0x60: {  	_ =	shalt  }
0x61: {  	_ =	shalt  }
0x62: {  	_ =	shalt  }
0x63: {  	_ =	shalt  }
0x64: {  	_ =	shalt  }
0x65: {  	_ =	shalt  }
0x66: {  	_ =	shalt  }
0x67: {  	_ =	shalt  }
0x68: {  	_ =	shalt  }
0x69: {  	_ =	shalt  }
0x6a: {  	_ =	shalt  }
0x6b: {  	_ =	shalt  }
0x6c: {  	_ =	shalt  }
0x6d: {  	_ =	shalt  }
0x6e: {  	_ =	shalt  }
0x6f: {  	_ =	shalt  }
0x70: {  	_ =	shalt  }
0x71: {  	_ =	shalt  }
0x72: {  	_ =	shalt  }
0x73: {  	_ =	shalt  }
0x74: {  	_ =	shalt  }
0x75: {  	_ =	shalt  }
0x76: {  	_ =	shalt  }
0x77: {  	_ =	shalt  }
0x78: {  	_ =	shalt  }
0x79: {  	_ =	shalt  }
0x7a: {  	_ =	shalt  }
0x7b: {  	_ =	shalt  }
0x7c: {  	_ =	shalt  }
0x7d: {  	_ =	shalt  }
0x7e: {  	_ =	shalt  }
0x7f: {  	_ =	shalt  }
0x80: {  	_ =	shalt  }
0x81: {  	_ =	shalt  }
0x82: {  	_ =	shalt  }
0x83: {  	_ =	shalt  }
0x84: {  	_ =	shalt  }
0x85: {  	_ =	shalt  }
0x86: {  	_ =	shalt  }
0x87: {  	_ =	shalt  }
.Lfunc_end0:
.L_simem_size_0:
called_computation_lowered:
.L_overlay_start_0:
0x88: {  	s2 =	sld [smem:$0x3FD9]  }
0x89: {  	s3 =	sld [smem:$0x3FFE];
	_ =	sdelay $0x1  }
0x8a: {  	s1 =	srdreg.scid  }
0x8b: {  	s0 =	sand.u32 $0x1, s1  }
0x8c: {  	s17 =	sshll.u32 s0, $0xA;
	s2 =	sadd.s32 s3, s2  }
0x8d: {  	s2 =	sadd.s32 s2, s17  }
0x8e: {  	[smem:$0x3FC6] =	sst s2  }
0x8f: {  	_ = 	snop  }
0x90: {  	s2 =	sld [smem:$0x3FC8]  }
0x91: {  	s18 =	sld [smem:$0x3FD0];
	(tm) =	ssettm $0x1  }
0x92: {  	s4 =	sld [smem:$0x3FFB];
	_ =	sdelay $0x3  }
0x93: {  	_ =	strace s4  }
0x94: {  	s4 =	sld [smem:$0x3FFC];
	_ =	sdelay $0x3  }
0x95: {  	_ =	strace s4  }
0x96: {  	s4 =	sld [smem:$0x3FFD];
	_ =	sdelay $0x3  }
0x97: {  	_ =	strace s4  }
0x98: {  	_ =	strace $0x8FFFFFFF  }
0x99: {  	s19 =	sld [smem:$0x3FDB];
	_ =	sdelay $0x1  }
0x9a: {  	s5 =	simm.s32 $_scs_section_size  }
0x9b: {  	s6 =	simm.s32 $_size__tile_overlayer_lowered;
	s7 =	simm.s32 $_tile_overlayer_lowered  }
0x9c: {  	s22 =	simm.s32 $0x1BFF;
	s21 =	sshll.u32 s7, $0x1;
	s4 =	sadd.s32 s5, s19  }
0x9d: {  	s8 =	simm.s32 $0x0;
	s20 =	sshll.u32 s6, $0x1;
	s6 =	sadd.s32 s21, s4  }
0x9e: {  	[timem:s8], [sflag:s22] =	dma.local [hbm:s6], s20  }
0x9f: {  	_ =	swait.ge [sflag:s22], s20  }
0xa0: {  	s5 =	ssub.s32 $0x0, s20;
	[sflag:s22] =	ssyncset.done $0x0  }
0xa1: {  	[sflag:s22] =	ssyncadd.s32 s5;
	_ =	sdelay $0x1  }
0xa2: {  	s23 =	simm.s32 $0x1B8B  }
0xa3: {  	_ =	swait.ge [sflag:s23], $0x1  }
0xa4: {  	[sflag:s23] =	ssyncset.done $0x0  }
0xa5: {  	s25 =	simm.s32 $0x1B8E;
	s24 =	sld [smem:$0x3FFE];
	[sflag:s23] =	ssyncadd.s32 $0xFFFFFFFF  }
0xa6: {  	s26 =	simm.s32 $execute0_lowered;
	[smem:$0x3FD2] =	sst s25  }
0xa7: {  	s6 =	sshll.u32 s26, $0x1;
	_ =	strace $0x80000046;
	[dreg:$0x1] =	wrdreg $0xFFFFFFFF  }
0xa8: {  	s28 =	simm.s32 $_size_execute0_lowered;
	s4 =	sadd.s32 s4, s6;
	[dreg:$0x0] =	wrdreg $0x0  }
0xa9: {  	s6 =	sshll.u32 s28, $0x1;
	[dreg:$0x2] =	wrdreg s4  }
0xaa: {  	[dreg:$0x3] =	wrdreg s6  }
0xab: {  	[dreg:$0x4] =	wrdreg $0xC0  }
0xac: {  	_ =	task [dreg:s8], $0x5FFFF  }
0xad: {  	[dreg:$0x1] =	wrdreg $0xFFFFFFFF  }
0xae: {  	[dreg:$0x0] =	wrdreg $0x60  }
0xaf: {  	[dreg:$0x2] =	wrdreg s24  }
0xb0: {  	[dreg:$0x3] =	wrdreg s2  }
0xb1: {  	[dreg:$0x4] =	wrdreg s18  }
0xb2: {  	[dreg:$0x5] =	wrdreg $0x9  }
0xb3: {  	_ =	task.clear_ibuf [dreg:s8], $0x6FFFF;
	_ =	strace $0x90000046  }
0xb4: {  	s29 =	simm.s32 $0x9;
	_ =	strace $0x80000048  }
0xb5: {  	_ =	swait.ge [sflag:s29], $0x1  }
0xb6: {  	[sflag:s29] =	ssyncadd.s32 $0xFFFFFFFF  }
0xb7: {  	_ =	strace $0x90000048  }
0xb8: {  	_ =	sfence  }
0xb9: {  	s30 =	sld [smem:$0x0];
	_ =	sdelay $0x2  }
0xba: {  	s31 =	sshll.u32 s1, $0xD;
	s1 =	sshrl.u32 s1, $0x2  }
0xbb: {  	s3 =	sand.u32 $0x4000, s31;
	s1 =	sadd.s32 s1, s30  }
0xbc: {  	s0 =	sor.u32 s3, s0;
	s1 =	sshll.u32 s1, $0x11  }
0xbd: {  	s0 =	sor.u32 s1, s0  }
0xbe: {  	s0 =	sadd.s32 $0x8F2B, s0  }
0xbf: {  	[sflag:s0] =	ssyncadd.remote.s32 $0x1  }
0xc0: {  	_ =	sfence.sel $0xFFFF  }
0xc1: {  	[dreg:$0x0] =	wrdreg $0xFFFFFFFF;
	(pc) =	sbr.abs _section_cstart, $3  }
0xc2: {  	[dreg:$0x1] =	wrdreg $0xFFFFFFFF  }
0xc3: {  	_ =	task.clear_ibuf [dreg:s8], $0x2FFFF;
	_ =	strace $0x9FFFFFFF  }
0xc4: {  	(tm) =	ssettm $0x7FFFFFFF  }
0xc5: {  	_ =	shalt  }
tec
execute0_lowered:
.L_overlay_start_1:
0x0: {  	(tag) =	ssettag $0x1  }
0x1: {  	s0 =	rddreg [dreg:$0x0]  }
0x2: {  	s1 =	srdreg.scid;
	s2 =	rddreg [dreg:$0x1]  }
0x3: {  	s10 =	stileid.u32;
	s4 =	rddreg [dreg:$0x2]  }
0x4: {  	s12 =	simm.s32 $0x80;
	s13 =	simm.s32 $0x1C00;
	s9 =	smul.u32 $0x190000, s10  }
0x5: {  	s1 =	sand.u32 $0x1, s1;
	s3 =	sshll.u32 s10, $0x1;
	s21 =	smul.u32 $0x32000, s10  }
0x6: {  	s14 =	simm.s32 $0x5C00;
	s5 =	sor.u32 s1, s3;
	s18 =	smul.u32 $0xC8000, s1  }
0x7: {  	s3 =	simm.s32 $0x0;
	s7 =	ssub.s32 $0x2, s1;
	s1 =	smul.u32 $0x19000, s1  }
0x8: {  	s30 =	simm.s32 $0x0;
	s6 =	smul.u32 $0x380, s5;
	[smem:$0x7FF] =	sst s3  }
0x9: {  	s5 =	smul.u32 $0xC8000, s5;
	s8 =	sshrl.u32 s7, $0x1;
	s23 =	sadd.s32 s21, s4  }
0xa: {  	s21 =	simm.s32 $0x2;
	_ =	strace $0x80000047;
	s17 =	ssub.s32 s7, s8  }
0xb: {  	s7 =	sadd.s32 s18, s9;
	s18 =	simm.s32 $0xDC00;
	s0 =	sadd.s32 s6, s0  }
0xc: {  	s19 =	smax.u32 s17, $0x1;
	s20 =	sshrl.u32 s5, $0x3;
	s22 =	sadd.s32 $0x10000, s7  }
0xd: {  	s26 =	sadd.s32 $0xC000, s7;
	s28 =	sadd.s32 $0x8000, s7;
	s7 =	sor.u32 $0x4000, s7  }
0xe: {  	s0 =	sadd.s32 $0x400, s0;
	[dreg:$0x6] =	wrdreg s19;
	s24 =	sshrl.u32 s22, $0x3  }
0xf: {  	s29 =	sshrl.u32 s28, $0x3;
	s31 =	sshrl.u32 s7, $0x3;
	s19 =	simm.s32 $0x11C00  }
0x10: {  	s22 =	simm.s32 $0x4;
	[dreg:$0x5] =	wrdreg s0;
	s0 =	sadd.s32 s4, s20  }
0x11: {  	s25 =	sadd.s32 s24, s4;
	s9 =	sadd.s32 s29, s4;
	s0 =	sadd.s32 $0x17800, s0  }
0x12: {  	s10 =	sadd.s32 s31, s4;
	[dreg:$0x4] =	wrdreg s0;
	s0 =	sadd.s32 s1, s23  }
0x13: {  	s20 =	simm.s32 $0x1;
	[dreg:$0x7] =	wrdreg s0;
	s0 =	sshrl.u32 s26, $0x3  }
0x14: {  	[dreg:$0x8] =	wrdreg s25;
	s23 =	simm.s32 $0x5;
	s8 =	sadd.s32 s0, s4  }
.LBB2_1:
0x15: {  	s0 =	rddreg [dreg:$0x5];
	s25 =	simm.s32 $0xB  }
0x16: {  	[tilespmem:s3], [sflag:$0xB] =	stream.linear.gather [hbm4b:s0+s3], $0x1900, $0x38;
	[tilespmem:$0x15C00] =	vst v63  }
0x17: {  	_ =	swait.ge [sflag:s25], $0x1900  }
0x18: {  	[sflag:s25] =	ssyncset.done $0x0  }
0x19: {  	[sflag:s25] =	ssyncadd.s32 $0xFFFFE700  }
0x1a: {  	[tilespmem:s13], [sflag:$0x1] =	stream.indirect.gather [hbm4b:s2+s12], $0x80, s3, s12, $0xb8;
	[tilespmem:$0x15C00] =	vst v63  }
0x1b: {  	_ = 	snop  }
0x1c: {  	[tilespmem:s14], [sflag:$0x2] =	stream.indirect.gather [hbm4b:s2+s12], $0x80, s12, s12, $0xb8;
	[tilespmem:$0x15C00] =	vst v63  }
0x1d: {  	s26 =	simm.s32 $0x100;
	s1 =	simm.s32 $0x9C00;
	p0 =	por $0x1, $0x1  }
0x1e: {  	[tilespmem:s1], [sflag:$0x3] =	stream.indirect.gather [hbm4b:s2+s12], $0x80, s26, s12, $0xb8;
	[tilespmem:$0x15C00] =	vst v63  }
0x1f: {  	s28 =	simm.s32 $0x180;
	s0 =	simm.s32 @!p0 $0xA  }
0x20: {  	[tilespmem:s18], [sflag:$0x4] =	stream.indirect.gather [hbm4b:s2+s12], $0x80, s28, s12, $0xb8;
	[tilespmem:$0x15C00] =	vst v63  }
0x21: {  	_ =	swait.ge @!p0 [sflag:s0], $0x4000  }
0x22: {  	[sflag:s0] =	ssyncset.done @!p0 $0x0  }
0x23: {  	s29 =	simm.s32 $0x200;
	[sflag:s0] =	ssyncadd.s32 @!p0 $0xFFFFC000  }
0x24: {  	[tilespmem:s19], [sflag:$0x5] =	stream.indirect.gather [hbm4b:s2+s12], $0x80, s29, s12, $0xb8;
	[tilespmem:$0x15C00] =	vst v63  }
0x25: {  	_ =	swait.ge [sflag:s20], $0x4000  }
0x26: {  	p0 =	por $0x0, $0x0;
	[sflag:s20] =	ssyncset.done $0x0  }
0x27: {  	s0 =	simm.s32 @!p0 $0x6;
	s5 =	rddreg [dreg:$0x7];
	[sflag:s20] =	ssyncadd.s32 $0xFFFFC000  }
0x28: {  	[hbm4b:s5+s3] =	stream.linear.scatter [tilespmem:s13], [sflag:$0x6], $0x4000, $0x38;
	[tilespmem:$0x15C00] =	vst v63  }
0x29: {  	_ =	swait.ge @!p0 [sflag:s0], $0x4000  }
0x2a: {  	s1 =	simm.s32 @!p0 $0x280;
	[sflag:s0] =	ssyncset.done @!p0 $0x0  }
0x2b: {  	s7 =	simm.s32 @!p0 $0x80;
	s4 =	simm.s32 @!p0 $0x1C00;
	[sflag:s0] =	ssyncadd.s32 @!p0 $0xFFFFC000  }
0x2c: {  	[tilespmem:s4], [sflag:$0x1] =	stream.indirect.gather @!p0 [hbm4b:s2+s7], $0x80, s1, s7, $0xb8;
	[tilespmem:$0x15C00] =	vst v63  }
0x2d: {  	_ =	swait.ge [sflag:s21], $0x4000  }
0x2e: {  	[sflag:s21] =	ssyncset.done $0x0  }
0x2f: {  	s0 =	simm.s32 @p0 $0x3;
	[sflag:s21] =	ssyncadd.s32 $0xFFFFC000  }
0x30: {  	[hbm4b:s10+s3] =	stream.linear.scatter [tilespmem:s14], [sflag:$0x7], $0x4000, $0x38;
	[tilespmem:$0x15C00] =	vst v63  }
0x31: {  	_ =	swait.ge @p0 [sflag:s0], $0x4000  }
0x32: {  	s11 =	simm.s32 @!p0 $0x7;
	s4 =	simm.s32 @p0 $0x9C00;
	[sflag:s0] =	ssyncset.done @p0 $0x0  }
0x33: {  	s1 =	rddreg [dreg:$0x4];
	[sflag:s0] =	ssyncadd.s32 @p0 $0xFFFFC000;
	s0 =	simm.s32 @p0 $0x0  }
0x34: {  	[hbm4b:s1+s0] =	stream.linear.scatter @p0 [tilespmem:s4], [sflag:$0x8], $0x4000, $0x38;
	[tilespmem:$0x15C00] =	vst v63  }
0x35: {  	_ =	swait.ge @!p0 [sflag:s11], $0x4000  }
0x36: {  	s0 =	simm.s32 @!p0 $0x300;
	[sflag:s11] =	ssyncset.done @!p0 $0x0  }
0x37: {  	s1 =	simm.s32 @!p0 $0x5C00;
	s4 =	simm.s32 @!p0 $0x3;
	[sflag:s11] =	ssyncadd.s32 @!p0 $0xFFFFC000  }
0x38: {  	[tilespmem:s1], [sflag:$0x2] =	stream.indirect.gather @!p0 [hbm4b:s2+s7], $0x80, s0, s7, $0xb8;
	[tilespmem:$0x15C00] =	vst v63  }
0x39: {  	_ =	swait.ge @!p0 [sflag:s4], $0x4000  }
0x3a: {  	s0 =	simm.s32 @!p0 $0x0;
	[sflag:s4] =	ssyncset.done @!p0 $0x0  }
0x3b: {  	s1 =	simm.s32 @!p0 $0x9C00;
	[sflag:s4] =	ssyncadd.s32 @!p0 $0xFFFFC000;
	s4 =	simm.s32 @!p0 $0x8  }
0x3c: {  	[hbm4b:s9+s0] =	stream.linear.scatter @!p0 [tilespmem:s1], [sflag:$0x8], $0x4000, $0x38;
	[tilespmem:$0x15C00] =	vst v63  }
0x3d: {  	_ =	swait.ge @!p0 [sflag:s4], $0x4000  }
0x3e: {  	[sflag:s4] =	ssyncset.done @!p0 $0x0  }
0x3f: {  	s0 =	simm.s32 @!p0 $0x380;
	[sflag:s4] =	ssyncadd.s32 @!p0 $0xFFFFC000  }
0x40: {  	[tilespmem:s1], [sflag:$0x3] =	stream.indirect.gather @!p0 [hbm4b:s2+s7], $0x80, s0, s7, $0xb8;
	[tilespmem:$0x15C00] =	vst v63  }
0x41: {  	_ =	swait.ge [sflag:s22], $0x4000  }
0x42: {  	[sflag:s22] =	ssyncset.done $0x0  }
0x43: {  	s0 =	simm.s32 @!p0 $0x9;
	[sflag:s22] =	ssyncadd.s32 $0xFFFFC000  }
0x44: {  	[hbm4b:s8+s3] =	stream.linear.scatter [tilespmem:s18], [sflag:$0x9], $0x4000, $0x38;
	[tilespmem:$0x15C00] =	vst v63  }
0x45: {  	s17 =	simm.s32 $0xA00;
	s15 =	sadd.s32 $0x2800, s10;
	_ =	swait.ge @!p0 [sflag:s0], $0x4000  }
0x46: {  	p1 =	por $0x0, $0x0;
	s16 =	sadd.s32 $0x2800, s5;
	[sflag:s0] =	ssyncset.done @!p0 $0x0  }
0x47: {  	s11 =	simm.s32 @!p0 $0xDC00;
	s1 =	simm.s32 @!p0 $0x400;
	[sflag:s0] =	ssyncadd.s32 @!p0 $0xFFFFC000  }
0x48: {  	[tilespmem:s11], [sflag:$0x4] =	stream.indirect.gather @!p0 [hbm4b:s2+s7], $0x80, s1, s7, $0xb8;
	[tilespmem:$0x15C00] =	vst v63  }
0x49: {  	s4 =	simm.s32 $0x1400;
	s0 =	sadd.s32 $0x2800, s9;
	s7 =	rddreg [dreg:$0x8]  }
0x4a: {  	s1 =	sadd.s32 $0x2800, s8;
	s31 =	sadd.s32 $0x2800, s7;
	_ =	swait.ge [sflag:s23], $0x4000  }
.LBB2_2:
0x4b: {  	[sflag:s23] =	ssyncset.done $0x0  }
0x4c: {  	s11 =	simm.s32 @!p1 $0xA;
	[sflag:s23] =	ssyncadd.s32 $0xFFFFC000  }
0x4d: {  	[hbm4b:s7+s3] =	stream.linear.scatter [tilespmem:s19], [sflag:$0xA], $0x4000, $0x38;
	[tilespmem:$0x15C00] =	vst v63  }
0x4e: {  	_ =	swait.ge @!p1 [sflag:s11], $0x4000  }
0x4f: {  	s24 =	sshra.s32 s17, $0x2;
	[sflag:s11] =	ssyncset.done @!p1 $0x0  }
0x50: {  	s24 =	sadd.s32 $0x200, s24;
	[sflag:s11] =	ssyncadd.s32 @!p1 $0xFFFFC000  }
0x51: {  	[tilespmem:s19], [sflag:$0x5] =	stream.indirect.gather [hbm4b:s2+s12], $0x80, s24, s12, $0xb8;
	[tilespmem:$0x15C00] =	vst v63  }
0x52: {  	_ =	swait.ge [sflag:s20], $0x4000  }
0x53: {  	p1 =	seq.s32 s17, $0x5A00;
	[sflag:s20] =	ssyncset.done $0x0  }
0x54: {  	s24 =	simm.s32 @!p1 $0x6;
	[sflag:s20] =	ssyncadd.s32 $0xFFFFC000  }
0x55: {  	[hbm4b:s16+s3] =	stream.linear.scatter [tilespmem:s13], [sflag:$0x6], $0x4000, $0x38;
	[tilespmem:$0x15C00] =	vst v63  }
0x56: {  	_ =	swait.ge @!p1 [sflag:s24], $0x4000  }
0x57: {  	s17 =	sshra.s32 @!p1 s17, $0x2;
	s11 =	simm.s32 @!p1 $0x80;
	[sflag:s24] =	ssyncset.done @!p1 $0x0  }
0x58: {  	s29 =	simm.s32 @!p1 $0x1C00;
	s26 =	sadd.s32 @!p1 $0x280, s17;
	[sflag:s24] =	ssyncadd.s32 @!p1 $0xFFFFC000  }
0x59: {  	[tilespmem:s29], [sflag:$0x1] =	stream.indirect.gather @!p1 [hbm4b:s2+s11], $0x80, s26, s11, $0xb8;
	[tilespmem:$0x15C00] =	vst v63  }
0x5a: {  	s25 =	smov.u32 s4;
	s28 =	sadd.s32 @!p1 $0x300, s17;
	_ =	swait.ge [sflag:s21], $0x4000  }
0x5b: {  	s6 =	sadd.s32 @!p1 $0x380, s17;
	s24 =	sadd.s32 @!p1 $0x400, s17;
	[sflag:s21] =	ssyncset.done $0x0  }
0x5c: {  	s17 =	smov.u32 s25;
	s25 =	simm.s32 @p1 $0x3;
	[sflag:s21] =	ssyncadd.s32 $0xFFFFC000  }
0x5d: {  	[hbm4b:s15+s3] =	stream.linear.scatter [tilespmem:s14], [sflag:$0x7], $0x4000, $0x38;
	[tilespmem:$0x15C00] =	vst v63  }
0x5e: {  	_ =	swait.ge @p1 [sflag:s25], $0x4000  }
0x5f: {  	s5 =	simm.s32 @!p1 $0x7;
	s29 =	simm.s32 @p1 $0x9C00;
	[sflag:s25] =	ssyncset.done @p1 $0x0  }
0x60: {  	s26 =	rddreg [dreg:$0x4];
	[sflag:s25] =	ssyncadd.s32 @p1 $0xFFFFC000;
	s25 =	simm.s32 @p1 $0x0  }
0x61: {  	[hbm4b:s26+s25] =	stream.linear.scatter @p1 [tilespmem:s29], [sflag:$0x8], $0x4000, $0x38;
	[tilespmem:$0x15C00] =	vst v63  }
0x62: {  	_ =	swait.ge @!p1 [sflag:s5], $0x4000  }
0x63: {  	[sflag:s5] =	ssyncset.done @!p1 $0x0  }
0x64: {  	s25 =	simm.s32 @!p1 $0x5C00;
	[sflag:s5] =	ssyncadd.s32 @!p1 $0xFFFFC000;
	s5 =	simm.s32 @!p1 $0x3  }
0x65: {  	[tilespmem:s25], [sflag:$0x2] =	stream.indirect.gather @!p1 [hbm4b:s2+s11], $0x80, s28, s11, $0xb8;
	[tilespmem:$0x15C00] =	vst v63  }
0x66: {  	_ =	swait.ge @!p1 [sflag:s5], $0x4000  }
0x67: {  	s26 =	simm.s32 @!p1 $0x9C00;
	[sflag:s5] =	ssyncset.done @!p1 $0x0  }
0x68: {  	s25 =	simm.s32 @!p1 $0x0;
	[sflag:s5] =	ssyncadd.s32 @!p1 $0xFFFFC000;
	s5 =	simm.s32 @!p1 $0x8  }
0x69: {  	[hbm4b:s0+s25] =	stream.linear.scatter @!p1 [tilespmem:s26], [sflag:$0x8], $0x4000, $0x38;
	[tilespmem:$0x15C00] =	vst v63  }
0x6a: {  	_ =	swait.ge @!p1 [sflag:s5], $0x4000  }
0x6b: {  	[sflag:s5] =	ssyncset.done @!p1 $0x0  }
0x6c: {  	[sflag:s5] =	ssyncadd.s32 @!p1 $0xFFFFC000  }
0x6d: {  	[tilespmem:s26], [sflag:$0x3] =	stream.indirect.gather @!p1 [hbm4b:s2+s11], $0x80, s6, s11, $0xb8;
	[tilespmem:$0x15C00] =	vst v63  }
0x6e: {  	s4 =	sadd.s32 $0xA00, s4;
	_ =	swait.ge [sflag:s22], $0x4000  }
0x6f: {  	p0 =	sne.s32 s4, $0x6400;
	[sflag:s22] =	ssyncset.done $0x0  }
0x70: {  	s7 =	smov.u32 s31;
	s5 =	simm.s32 @!p1 $0x9;
	[sflag:s22] =	ssyncadd.s32 $0xFFFFC000  }
0x71: {  	[hbm4b:s1+s3] =	stream.linear.scatter [tilespmem:s18], [sflag:$0x9], $0x4000, $0x38;
	[tilespmem:$0x15C00] =	vst v63  }
.Ltmp0:
0x72: {  	s31 =	sadd.s32 $0x2800, s31;
	_ =	swait.ge @!p1 [sflag:s5], $0x4000;
	(pc) =	sbr.rel @p0 .LBB2_2-.Ltmp0, $4  }
0x73: {  	s16 =	sadd.s32 $0x2800, s16;
	s15 =	sadd.s32 $0x2800, s15;
	[sflag:s5] =	ssyncset.done @!p1 $0x0  }
0x74: {  	s0 =	sadd.s32 $0x2800, s0;
	s6 =	simm.s32 @!p1 $0xDC00;
	[sflag:s5] =	ssyncadd.s32 @!p1 $0xFFFFC000  }
0x75: {  	[tilespmem:s6], [sflag:$0x4] =	stream.indirect.gather @!p1 [hbm4b:s2+s11], $0x80, s24, s11, $0xb8;
	[tilespmem:$0x15C00] =	vst v63  }
0x76: {  	s1 =	sadd.s32 $0x2800, s1;
	p1 =	seq.s32 s17, $0x0;
	_ =	swait.ge [sflag:s23], $0x4000  }
0x77: {  	[sflag:s23] =	ssyncset.done $0x0  }
0x78: {  	s4 =	simm.s32 @!p1 $0xA;
	[sflag:s23] =	ssyncadd.s32 $0xFFFFC000  }
0x79: {  	[hbm4b:s7+s3] =	stream.linear.scatter [tilespmem:s19], [sflag:$0xA], $0x4000, $0x38;
	[tilespmem:$0x15C00] =	vst v63  }
0x7a: {  	_ =	swait.ge @!p1 [sflag:s4], $0x4000  }
0x7b: {  	s5 =	sshra.s32 s17, $0x2;
	[sflag:s4] =	ssyncset.done @!p1 $0x0  }
0x7c: {  	s5 =	sadd.s32 $0x200, s5;
	[sflag:s4] =	ssyncadd.s32 @!p1 $0xFFFFC000  }
0x7d: {  	[tilespmem:s19], [sflag:$0x5] =	stream.indirect.gather [hbm4b:s2+s12], $0x80, s5, s12, $0xb8;
	[tilespmem:$0x15C00] =	vst v63  }
0x7e: {  	_ =	swait.ge [sflag:s20], $0x4000  }
0x7f: {  	p0 =	seq.s32 s17, $0x5A00;
	[sflag:s20] =	ssyncset.done $0x0  }
0x80: {  	s4 =	simm.s32 @!p0 $0x6;
	[sflag:s20] =	ssyncadd.s32 $0xFFFFC000  }
0x81: {  	[hbm4b:s16+s3] =	stream.linear.scatter [tilespmem:s13], [sflag:$0x6], $0x4000, $0x38;
	[tilespmem:$0x15C00] =	vst v63  }
0x82: {  	_ =	swait.ge @!p0 [sflag:s4], $0x4000  }
0x83: {  	s7 =	simm.s32 @!p0 $0x80;
	s5 =	sshra.s32 @!p0 s17, $0x2;
	[sflag:s4] =	ssyncset.done @!p0 $0x0  }
0x84: {  	s6 =	sadd.s32 @!p0 $0x280, s5;
	[sflag:s4] =	ssyncadd.s32 @!p0 $0xFFFFC000;
	s4 =	simm.s32 @!p0 $0x1C00  }
0x85: {  	[tilespmem:s4], [sflag:$0x1] =	stream.indirect.gather @!p0 [hbm4b:s2+s7], $0x80, s6, s7, $0xb8;
	[tilespmem:$0x15C00] =	vst v63  }
0x86: {  	_ =	swait.ge [sflag:s21], $0x4000  }
0x87: {  	[sflag:s21] =	ssyncset.done $0x0  }
0x88: {  	s4 =	simm.s32 @p0 $0x3;
	[sflag:s21] =	ssyncadd.s32 $0xFFFFC000  }
0x89: {  	[hbm4b:s15+s3] =	stream.linear.scatter [tilespmem:s14], [sflag:$0x7], $0x4000, $0x38;
	[tilespmem:$0x15C00] =	vst v63  }
0x8a: {  	_ =	swait.ge @p0 [sflag:s4], $0x4000  }
0x8b: {  	s11 =	simm.s32 @p0 $0x9C00;
	[sflag:s4] =	ssyncset.done @p0 $0x0  }
0x8c: {  	s6 =	rddreg [dreg:$0x4];
	[sflag:s4] =	ssyncadd.s32 @p0 $0xFFFFC000;
	s4 =	simm.s32 @p0 $0x0  }
0x8d: {  	[hbm4b:s6+s4] =	stream.linear.scatter @p0 [tilespmem:s11], [sflag:$0x8], $0x4000, $0x38;
	[tilespmem:$0x15C00] =	vst v63  }
0x8e: {  	s4 =	simm.s32 @!p0 $0x7  }
0x8f: {  	_ =	swait.ge @!p0 [sflag:s4], $0x4000  }
0x90: {  	[sflag:s4] =	ssyncset.done @!p0 $0x0  }
0x91: {  	s6 =	sadd.s32 @!p0 $0x300, s5;
	[sflag:s4] =	ssyncadd.s32 @!p0 $0xFFFFC000;
	s4 =	simm.s32 @!p0 $0x5C00  }
0x92: {  	[tilespmem:s4], [sflag:$0x2] =	stream.indirect.gather @!p0 [hbm4b:s2+s7], $0x80, s6, s7, $0xb8;
	[tilespmem:$0x15C00] =	vst v63  }
0x93: {  	s4 =	simm.s32 @!p0 $0x3  }
0x94: {  	_ =	swait.ge @!p0 [sflag:s4], $0x4000  }
0x95: {  	[sflag:s4] =	ssyncset.done @!p0 $0x0  }
0x96: {  	s6 =	simm.s32 @!p0 $0x0;
	[sflag:s4] =	ssyncadd.s32 @!p0 $0xFFFFC000;
	s4 =	simm.s32 @!p0 $0x9C00  }
0x97: {  	[hbm4b:s0+s6] =	stream.linear.scatter @!p0 [tilespmem:s4], [sflag:$0x8], $0x4000, $0x38;
	[tilespmem:$0x15C00] =	vst v63  }
0x98: {  	s0 =	simm.s32 @!p0 $0x8  }
0x99: {  	_ =	swait.ge @!p0 [sflag:s0], $0x4000  }
0x9a: {  	[sflag:s0] =	ssyncset.done @!p0 $0x0  }
0x9b: {  	[sflag:s0] =	ssyncadd.s32 @!p0 $0xFFFFC000;
	s0 =	sadd.s32 @!p0 $0x380, s5  }
0x9c: {  	[tilespmem:s4], [sflag:$0x3] =	stream.indirect.gather @!p0 [hbm4b:s2+s7], $0x80, s0, s7, $0xb8;
	[tilespmem:$0x15C00] =	vst v63  }
0x9d: {  	_ =	swait.ge [sflag:s22], $0x4000  }
0x9e: {  	[sflag:s22] =	ssyncset.done $0x0  }
0x9f: {  	s0 =	simm.s32 @!p0 $0x9;
	[sflag:s22] =	ssyncadd.s32 $0xFFFFC000  }
0xa0: {  	[hbm4b:s1+s3] =	stream.linear.scatter [tilespmem:s18], [sflag:$0x9], $0x4000, $0x38;
	[tilespmem:$0x15C00] =	vst v63  }
0xa1: {  	_ =	swait.ge @!p0 [sflag:s0], $0x4000  }
0xa2: {  	[sflag:s0] =	ssyncset.done @!p0 $0x0  }
0xa3: {  	s1 =	sadd.s32 @!p0 $0x400, s5;
	[sflag:s0] =	ssyncadd.s32 @!p0 $0xFFFFC000;
	s0 =	simm.s32 @!p0 $0xDC00  }
0xa4: {  	[tilespmem:s0], [sflag:$0x4] =	stream.indirect.gather @!p0 [hbm4b:s2+s7], $0x80, s1, s7, $0xb8;
	[tilespmem:$0x15C00] =	vst v63  }
0xa5: {  	_ =	swait.ge [sflag:s23], $0x4000  }
0xa6: {  	[sflag:s23] =	ssyncset.done $0x0  }
0xa7: {  	s24 =	simm.s32 $0x6;
	[sflag:s23] =	ssyncadd.s32 $0xFFFFC000  }
0xa8: {  	[hbm4b:s31+s3] =	stream.linear.scatter [tilespmem:s19], [sflag:$0xA], $0x4000, $0x38;
	[tilespmem:$0x15C00] =	vst v63  }
0xa9: {  	_ =	swait.ge [sflag:s24], $0x4000  }
0xaa: {  	[sflag:s24] =	ssyncset.done $0x0  }
0xab: {  	s25 =	simm.s32 $0x7;
	[sflag:s24] =	ssyncadd.s32 $0xFFFFC000  }
0xac: {  	_ =	swait.ge [sflag:s25], $0x4000  }
0xad: {  	[sflag:s25] =	ssyncset.done $0x0  }
0xae: {  	s26 =	simm.s32 $0x8;
	[sflag:s25] =	ssyncadd.s32 $0xFFFFC000  }
0xaf: {  	_ =	swait.ge [sflag:s26], $0x4000  }
0xb0: {  	[sflag:s26] =	ssyncset.done $0x0  }
0xb1: {  	s28 =	simm.s32 $0x9;
	[sflag:s26] =	ssyncadd.s32 $0xFFFFC000  }
0xb2: {  	_ =	swait.ge [sflag:s28], $0x4000  }
0xb3: {  	[sflag:s28] =	ssyncset.done $0x0  }
0xb4: {  	s29 =	simm.s32 $0xA;
	[sflag:s28] =	ssyncadd.s32 $0xFFFFC000  }
0xb5: {  	_ =	swait.ge [sflag:s29], $0x4000  }
0xb6: {  	s30 =	sadd.s32 $0x1, s30;
	s31 =	rddreg [dreg:$0x6]  }
0xb7: {  	p0 =	sne.s32 s30, s31  }
.Ltmp1:
0xb8: {  	_ = 	snop;
	(pc) =	sbr.rel @p0 .LBB2_1-.Ltmp1, $3  }
0xb9: {  	_ =	sdelay $0x1  }
0xba: {  	[sflag:s29] =	ssyncset.done $0x0  }
0xbb: {  	[sflag:s29] =	ssyncadd.s32 $0xFFFFC000  }
0xbc: {  	_ =	sfence.sel $0x180000  }
0xbd: {  	[bflag:$0x0] =	sbarrier.arrive $0xFFFF  }
0xbe: {  	_ =	strace $0x90000047  }
0xbf: {  	s0 =	stileid.u32;
	[bflag:$0x2] =	sbarrier.arrive $0xFFFF  }
0xc0: {  	p0 =	sne.s32 s0, $0x0;
	s0 =	rddreg [dreg:$0x3]  }
0xc1: {  	s0 =	sadd.s32 @!p0 $0x100000, s0  }
0xc2: {  	[sflag:s0] =	ssyncadd.tile.s32 @!p0 $0x1;
	_ =	shalt  }
.Lfunc_end2:
_tile_overlayer_lowered:
.L_overlay_start_2:
0xc3: {  	(tag) =	ssettag $0x2  }
0xc4: {  	s0 =	rddreg [dreg:$0x0];
	s2 =	stileid.u32  }
0xc5: {  	s1 =	rddreg [dreg:$0x1];
	p0 =	sne.s32 s2, $0x0  }
0xc6: {  	s3 =	rddreg [dreg:$0x2];
	[bflag:$0x3] =	sbarrier.arrive $0xFFFF;
	s2 =	simm.s32 @!p0 $0x1C0B  }
0xc7: {  	[timem:s3], [sflag:s2] =	dma.local @!p0 [hbm:s0], s1  }
0xc8: {  	s0 =	simm.s32 @!p0 $0xB  }
0xc9: {  	_ =	swait.ge @!p0 [sflag:s0], s1  }
0xca: {  	s1 =	ssub.s32 @!p0 $0x0, s1;
	[sflag:s0] =	ssyncset.done @!p0 $0x0  }
0xcb: {  	[sflag:s0] =	ssyncadd.s32 @!p0 s1  }
0xcc: {  	[bflag:$0x3] =	sbarrier.arrive $0xFFFF  }
0xcd: {  	_ =	shalt  }

</sc_bundles>
